<compile_context>
chip_gen: v7x
topology: tpu7x:2x2x1
jax: 0.10.2.dev20260603
libtpu: 0.0.44.dev20260713+nightly
codegen_flags: <defaults>
</compile_context>

<pallas_src>
import functools

import jax
import jax.numpy as jnp
from jax import lax
from jax.experimental import pallas as pl
from jax.experimental.pallas import tpu as pltpu
from jax.experimental.pallas import tpu_sc as plsc

N = 10000
NP = 10240
E = 320000
NW = 32
EW = 10240
EP = NW * EW
RT = NP // 16
BR = 1280
GRID = NP // BR

_MESH = plsc.VectorSubcoreMesh(core_axis_name="c", subcore_axis_name="s")


def _make_agg(D, CH):
    K = EW // CH

    @functools.partial(
        pl.kernel,
        out_type=jax.ShapeDtypeStruct((2, NP, D), jnp.float32),
        mesh=_MESH,
        scratch_types=[
            pltpu.VMEM_SHARED((NP, D), jnp.float32),
            pltpu.VMEM((EW,), jnp.int32),
            pltpu.VMEM((K, CH), jnp.int32),
            pltpu.VMEM((CH, D), jnp.float32),
            pltpu.VMEM((CH, D), jnp.float32),
            pltpu.SemaphoreType.DMA,
            pltpu.SemaphoreType.DMA,
        ],
    )
    def agg(hs, zeros, srcp, dstp, out, acc, srcv, dstv, buf0, buf1, sem0, sem1):
        c = lax.axis_index("c")
        s = lax.axis_index("s")
        w = c * 16 + s
        rows = pl.ds(s * RT, RT)

        @pl.when(c == 0)
        def _():
            pltpu.sync_copy(hs.at[rows], acc.at[rows])

        @pl.when(c != 0)
        def _():
            pltpu.sync_copy(zeros.at[rows], acc.at[rows])

        pltpu.sync_copy(srcp.at[w], srcv)
        pltpu.sync_copy(dstp.at[w], dstv)
        plsc.subcore_barrier()

        @pl.loop(0, K, step=2)
        def _(j):
            d0 = pltpu.async_copy(hs.at[srcv.at[pl.ds(j * CH, CH)]], buf0, sem0)
            d1 = pltpu.async_copy(
                hs.at[srcv.at[pl.ds((j + 1) * CH, CH)]], buf1, sem1)
            d0.wait()
            pltpu.sync_copy(buf0, acc.at[dstv.at[j]], add=True)
            d1.wait()
            pltpu.sync_copy(buf1, acc.at[dstv.at[j + 1]], add=True)

        plsc.subcore_barrier()
        pltpu.sync_copy(acc.at[rows], out.at[c, rows])

    return agg


_DEG_CH = 128
_DEG_K = EW // _DEG_CH


@functools.partial(
    pl.kernel,
    out_type=jax.ShapeDtypeStruct((2, NP), jnp.float32),
    mesh=_MESH,
    scratch_types=[
        pltpu.VMEM_SHARED((NP,), jnp.float32),
        pltpu.VMEM((_DEG_K, _DEG_CH), jnp.int32),
        pltpu.VMEM((_DEG_CH,), jnp.float32),
    ],
)
def _deg(zeros1, dstp, out, acc, dstv, ones):
    c = lax.axis_index("c")
    s = lax.axis_index("s")
    w = c * 16 + s
    rows = pl.ds(s * RT, RT)
    pltpu.sync_copy(zeros1.at[rows], acc.at[rows])
    pltpu.sync_copy(dstp.at[w], dstv)

    @pl.loop(0, _DEG_CH // 16)
    def _(i):
        ones[pl.ds(i * 16, 16)] = jnp.ones((16,), jnp.float32)

    plsc.subcore_barrier()

    @pl.loop(0, _DEG_K)
    def _(j):
        pltpu.sync_copy(ones, acc.at[dstv.at[j]], add=True)

    plsc.subcore_barrier()
    pltpu.sync_copy(acc.at[rows], out.at[c, rows])


def _tc1_body(cnt_ref, x_ref, w_ref, dinv_ref, hs_ref):
    dinv = lax.rsqrt(cnt_ref[0] + cnt_ref[1] + 1.0)
    dinv_ref[...] = dinv
    h = jnp.dot(x_ref[...], w_ref[...], preferred_element_type=jnp.float32)
    hs_ref[...] = h * dinv


def _tc1(cnt, x, W0):
    return pl.pallas_call(
        _tc1_body,
        grid=(GRID,),
        in_specs=[
            pl.BlockSpec((2, BR, 1), lambda i: (0, i, 0)),
            pl.BlockSpec((BR, 128), lambda i: (i, 0)),
            pl.BlockSpec((128, 128), lambda i: (0, 0)),
        ],
        out_specs=[
            pl.BlockSpec((BR, 1), lambda i: (i, 0)),
            pl.BlockSpec((BR, 128), lambda i: (i, 0)),
        ],
        out_shape=[
            jax.ShapeDtypeStruct((NP, 1), jnp.float32),
            jax.ShapeDtypeStruct((NP, 128), jnp.float32),
        ],
    )(cnt, x, W0)


def _tcmid_body(p_ref, dinv_ref, b_ref, w_ref, hs_ref):
    dinv = dinv_ref[...]
    z = jnp.maximum((p_ref[0] + p_ref[1]) * dinv + b_ref[...], 0.0)
    h = jnp.dot(z, w_ref[...], preferred_element_type=jnp.float32)
    hs_ref[...] = h * dinv


def _tcmid(p, dinv, b, W, dout):
    din = p.shape[-1]
    return pl.pallas_call(
        _tcmid_body,
        grid=(GRID,),
        in_specs=[
            pl.BlockSpec((2, BR, din), lambda i: (0, i, 0)),
            pl.BlockSpec((BR, 1), lambda i: (i, 0)),
            pl.BlockSpec((1, din), lambda i: (0, 0)),
            pl.BlockSpec((din, dout), lambda i: (0, 0)),
        ],
        out_specs=pl.BlockSpec((BR, dout), lambda i: (i, 0)),
        out_shape=jax.ShapeDtypeStruct((NP, dout), jnp.float32),
    )(p, dinv, b.reshape(1, din), W)


def _tc4_body(p_ref, dinv_ref, b_ref, out_ref):
    zf = (p_ref[0] + p_ref[1]) * dinv_ref[...]
    z = zf[:, :64] + b_ref[...]
    m = jnp.max(z, axis=-1, keepdims=True)
    lse = jnp.log(jnp.sum(jnp.exp(z - m), axis=-1, keepdims=True)) + m
    out_ref[...] = z - lse


def _tc4(p, dinv, b):
    return pl.pallas_call(
        _tc4_body,
        grid=(GRID,),
        in_specs=[
            pl.BlockSpec((2, BR, 128), lambda i: (0, i, 0)),
            pl.BlockSpec((BR, 1), lambda i: (i, 0)),
            pl.BlockSpec((1, 64), lambda i: (0, 0)),
        ],
        out_specs=pl.BlockSpec((BR, 64), lambda i: (i, 0)),
        out_shape=jax.ShapeDtypeStruct((NP, 64), jnp.float32),
    )(p, dinv, b.reshape(1, 64))


_agg128 = _make_agg(128, 64)


def kernel(x, edge_index, W0, b0, W1, b1, W2, b2):
    pad = jnp.full((EP - E,), N, jnp.int32)
    src = jnp.concatenate([edge_index[0], pad]).reshape(NW, EW)
    dst = jnp.concatenate([edge_index[1], pad])
    dst64 = dst.reshape(NW, EW // 64, 64)
    dst128 = dst.reshape(NW, EW // 128, 128)
    xp = jnp.pad(x, ((0, NP - N), (0, 0)))
    W2p = jnp.pad(W2, ((0, 0), (0, 64)))
    zeros128 = jnp.zeros((NP, 128), jnp.float32)
    zeros1 = jnp.zeros((NP,), jnp.float32)

    cnt = _deg(zeros1, dst128)
    dinv, hs0 = _tc1(cnt.reshape(2, NP, 1), xp, W0)
    p = _agg128(hs0, zeros128, src, dst64)
    hs1 = _tcmid(p, dinv, b0, W1, 128)
    p = _agg128(hs1, zeros128, src, dst64)
    hs2 = _tcmid(p, dinv, b1, W2p, 128)
    q = _agg128(hs2, zeros128, src, dst64)
    return _tc4(q, dinv, b2)[:N]

# --- scband reference (transcript-rebuilt; emitter-appended) ---
"""Pipeline reference for scband-gcn-24257975287859 (READ-ONLY COPY).

The authoritative reference and input builder live on the scoring server;
editing this copy changes nothing except your own understanding.
"""

import jax, jax.numpy as jnp
import numpy as np

N = 10000
E = 320000
DIN = 128
DH = 128
DOUT = 64


def glorot(key, shape):
    fan_in, fan_out = shape[0], shape[1]
    limit = float(np.sqrt(6.0 / (fan_in + fan_out)))
    return jax.random.uniform(key, shape, dtype=jnp.float32, minval=-limit, maxval=limit)


def gcn_conv(x, edge_index, W, b):
    # PyG GCNConv with normalize=True: add self-loops, sym-normalize, linear, scatter-add, bias
    n = x.shape[0]
    src = edge_index[0]
    dst = edge_index[1]
    loop = jnp.arange(n, dtype=src.dtype)
    src = jnp.concatenate([src, loop])
    dst = jnp.concatenate([dst, loop])
    ones = jnp.ones(src.shape[0], dtype=x.dtype)
    deg = jax.ops.segment_sum(ones, dst, num_segments=n)
    dinv = jnp.where(deg > 0, deg ** -0.5, 0.0)
    norm = dinv[src] * dinv[dst]
    h = x @ W
    msg = h[src] * norm[:, None]
    out = jax.ops.segment_sum(msg, dst, num_segments=n)
    return out + b


def setup_inputs(seed: int = 0) -> dict:
    key = jax.random.key(seed)
    ks = jax.random.split(key, 8)
    x = jax.random.normal(ks[0], (N, DIN), dtype=jnp.float32)
    edge_index = jax.random.randint(ks[1], (2, E), 0, N, dtype=jnp.int32)
    W0 = glorot(ks[2], (DIN, DH))
    b0 = jnp.zeros((DH,), dtype=jnp.float32)
    W1 = glorot(ks[3], (DH, DH))
    b1 = jnp.zeros((DH,), dtype=jnp.float32)
    W2 = glorot(ks[4], (DH, DOUT))
    b2 = jnp.zeros((DOUT,), dtype=jnp.float32)
    return {"x": x, "edge_index": edge_index, "W0": W0, "b0": b0, "W1": W1, "b1": b1, "W2": W2, "b2": b2}


def reference(x, edge_index, W0, b0, W1, b1, W2, b2):
    # eval mode: dropout is identity
    h = jax.nn.relu(gcn_conv(x, edge_index, W0, b0))
    h = jax.nn.relu(gcn_conv(h, edge_index, W1, b1))
    h = gcn_conv(h, edge_index, W2, b2)
    return jax.nn.log_softmax(h, axis=-1)

if __name__ == "__main__":
    import jax
    _d = setup_inputs()
    print(jax.jit(kernel)(*tuple(_d.values())))

</pallas_src>

<mosaic_0001>
#map = affine_map<(d0, d1) -> (0, 0)>
#map1 = affine_map<(d0, d1) -> (0, 0, 0)>
module attributes {stable_mosaic.version = 14 : i64} {
  func.func @agg(%arg0: i32, %arg1: i32, %arg2: memref<10240x128xf32, #tpu.memory_space<hbm>>, %arg3: memref<10240x128xf32, #tpu.memory_space<hbm>>, %arg4: memref<32x10240xi32, #tpu.memory_space<hbm>>, %arg5: memref<32x160x64xi32, #tpu.memory_space<hbm>>, %arg6: memref<2x10240x128xf32, #tpu.memory_space<hbm>>, %arg7: memref<10240x128xf32, #tpu.memory_space<vmem_shared>>, %arg8: memref<10240xi32, #tpu.memory_space<vmem>>, %arg9: memref<160x64xi32, #tpu.memory_space<vmem>>, %arg10: memref<64x128xf32, #tpu.memory_space<vmem>>, %arg11: memref<64x128xf32, #tpu.memory_space<vmem>>, %arg12: memref<!tpu.dma_semaphore, #tpu.memory_space<semaphore_mem>>, %arg13: memref<!tpu.dma_semaphore, #tpu.memory_space<semaphore_mem>>) attributes {dimension_semantics = [#tpu.dimension_semantics<core_parallel>, #tpu.dimension_semantics<subcore_parallel>], iteration_bounds = array<i64: 2, 16>, scalar_prefetch = 0 : i64, scratch_operands = 7 : i64, tpu.core_type = #tpu.core_type<sc_vector_subcore>, window_params = [{transform_indices = #map}, {transform_indices = #map}, {transform_indices = #map}, {transform_indices = #map1}, {transform_indices = #map1}]} {
    %mul3A = arith.constant 16 : i32
    %mul3A_0 = arith.muli %arg0, %mul3A : i32
    %add3A = arith.addi %mul3A_0, %arg1 : i32
    %mul3A_1 = arith.constant 640 : i32
    %mul3A_2 = arith.muli %arg1, %mul3A_1 : i32
    %eq3A = arith.constant 0 : i32
    %eq3A_3 = arith.cmpi eq, %arg0, %eq3A : i32
    %convert_element_type3A = arith.extui %eq3A_3 : i1 to i32
    %cond3A = arith.constant 0 : i32
    %cond3A_4 = arith.cmpi ne, %convert_element_type3A, %cond3A : i32
    scf.if %cond3A_4 {
      "tpu.region"() ({
        %run_scoped3A = tpu.sem_alloc : memref<!tpu.dma_semaphore, #tpu.memory_space<semaphore_mem>>
        %dma_start3A = arith.constant 0 : i32
        %dma_start3A_14 = tpu.memref_slice %arg7[%mul3A_2, %dma_start3A] : memref<10240x128xf32, #tpu.memory_space<vmem_shared>> -> memref<640x128xf32, #tpu.memory_space<vmem_shared>>
        %dma_start3A_15 = arith.constant 0 : i32
        %dma_start3A_16 = tpu.memref_slice %arg2[%mul3A_2, %dma_start3A_15] : memref<10240x128xf32, #tpu.memory_space<hbm>> -> memref<640x128xf32, #tpu.memory_space<hbm>>
        tpu.enqueue_dma source(%dma_start3A_16 : memref<640x128xf32, #tpu.memory_space<hbm>>) target(%dma_start3A_14 : memref<640x128xf32, #tpu.memory_space<vmem_shared>>) target_semaphore(%run_scoped3A : memref<!tpu.dma_semaphore, #tpu.memory_space<semaphore_mem>>)
        %dma_wait3A = arith.constant 0 : i32
        %dma_wait3A_17 = tpu.memref_slice %arg7[%mul3A_2, %dma_wait3A] : memref<10240x128xf32, #tpu.memory_space<vmem_shared>> -> memref<640x128xf32, #tpu.memory_space<vmem_shared>>
        %dma_wait3A_18 = arith.constant 0 : i32
        %dma_wait3A_19 = tpu.memref_slice %arg2[%mul3A_2, %dma_wait3A_18] : memref<10240x128xf32, #tpu.memory_space<hbm>> -> memref<640x128xf32, #tpu.memory_space<hbm>>
        tpu.wait_dma2 semaphore(%run_scoped3A : memref<!tpu.dma_semaphore, #tpu.memory_space<semaphore_mem>>) src(%dma_wait3A_19 : memref<640x128xf32, #tpu.memory_space<hbm>>) dst(%dma_wait3A_17 : memref<640x128xf32, #tpu.memory_space<vmem_shared>>)
        tpu.yield
      }) : () -> ()
    } else {
    }
    %ne3A = arith.constant 0 : i32
    %ne3A_5 = arith.cmpi ne, %arg0, %ne3A : i32
    %convert_element_type3A_6 = arith.extui %ne3A_5 : i1 to i32
    %cond3A_7 = arith.constant 0 : i32
    %cond3A_8 = arith.cmpi ne, %convert_element_type3A_6, %cond3A_7 : i32
    scf.if %cond3A_8 {
      "tpu.region"() ({
        %run_scoped3A = tpu.sem_alloc : memref<!tpu.dma_semaphore, #tpu.memory_space<semaphore_mem>>
        %dma_start3A = arith.constant 0 : i32
        %dma_start3A_14 = tpu.memref_slice %arg7[%mul3A_2, %dma_start3A] : memref<10240x128xf32, #tpu.memory_space<vmem_shared>> -> memref<640x128xf32, #tpu.memory_space<vmem_shared>>
        %dma_start3A_15 = arith.constant 0 : i32
        %dma_start3A_16 = tpu.memref_slice %arg3[%mul3A_2, %dma_start3A_15] : memref<10240x128xf32, #tpu.memory_space<hbm>> -> memref<640x128xf32, #tpu.memory_space<hbm>>
        tpu.enqueue_dma source(%dma_start3A_16 : memref<640x128xf32, #tpu.memory_space<hbm>>) target(%dma_start3A_14 : memref<640x128xf32, #tpu.memory_space<vmem_shared>>) target_semaphore(%run_scoped3A : memref<!tpu.dma_semaphore, #tpu.memory_space<semaphore_mem>>)
        %dma_wait3A = arith.constant 0 : i32
        %dma_wait3A_17 = tpu.memref_slice %arg7[%mul3A_2, %dma_wait3A] : memref<10240x128xf32, #tpu.memory_space<vmem_shared>> -> memref<640x128xf32, #tpu.memory_space<vmem_shared>>
        %dma_wait3A_18 = arith.constant 0 : i32
        %dma_wait3A_19 = tpu.memref_slice %arg3[%mul3A_2, %dma_wait3A_18] : memref<10240x128xf32, #tpu.memory_space<hbm>> -> memref<640x128xf32, #tpu.memory_space<hbm>>
        tpu.wait_dma2 semaphore(%run_scoped3A : memref<!tpu.dma_semaphore, #tpu.memory_space<semaphore_mem>>) src(%dma_wait3A_19 : memref<640x128xf32, #tpu.memory_space<hbm>>) dst(%dma_wait3A_17 : memref<640x128xf32, #tpu.memory_space<vmem_shared>>)
        tpu.yield
      }) : () -> ()
    } else {
    }
    "tpu.region"() ({
      %run_scoped3A = tpu.sem_alloc : memref<!tpu.dma_semaphore, #tpu.memory_space<semaphore_mem>>
      %dma_start3A = arith.constant 0 : i32
      %dma_start3A_14 = tpu.memref_slice %arg4[%add3A, %dma_start3A] : memref<32x10240xi32, #tpu.memory_space<hbm>> -> memref<1x10240xi32, #tpu.memory_space<hbm>>
      %dma_start3A_15 = tpu.memref_squeeze %dma_start3A_14 : memref<1x10240xi32, #tpu.memory_space<hbm>> -> memref<10240xi32, #tpu.memory_space<hbm>>
      %dma_start3A_16 = arith.constant 0 : i32
      %dma_start3A_17 = tpu.memref_slice %arg4[%add3A, %dma_start3A_16] : memref<32x10240xi32, #tpu.memory_space<hbm>> -> memref<1x10240xi32, #tpu.memory_space<hbm>>
      %dma_start3A_18 = tpu.memref_squeeze %dma_start3A_17 : memref<1x10240xi32, #tpu.memory_space<hbm>> -> memref<10240xi32, #tpu.memory_space<hbm>>
      tpu.enqueue_dma source(%dma_start3A_18 : memref<10240xi32, #tpu.memory_space<hbm>>) target(%arg8 : memref<10240xi32, #tpu.memory_space<vmem>>) target_semaphore(%run_scoped3A : memref<!tpu.dma_semaphore, #tpu.memory_space<semaphore_mem>>)
      %dma_wait3A = arith.constant 0 : i32
      %dma_wait3A_19 = tpu.memref_slice %arg4[%add3A, %dma_wait3A] : memref<32x10240xi32, #tpu.memory_space<hbm>> -> memref<1x10240xi32, #tpu.memory_space<hbm>>
      %dma_wait3A_20 = tpu.memref_squeeze %dma_wait3A_19 : memref<1x10240xi32, #tpu.memory_space<hbm>> -> memref<10240xi32, #tpu.memory_space<hbm>>
      %dma_wait3A_21 = arith.constant 0 : i32
      %dma_wait3A_22 = tpu.memref_slice %arg4[%add3A, %dma_wait3A_21] : memref<32x10240xi32, #tpu.memory_space<hbm>> -> memref<1x10240xi32, #tpu.memory_space<hbm>>
      %dma_wait3A_23 = tpu.memref_squeeze %dma_wait3A_22 : memref<1x10240xi32, #tpu.memory_space<hbm>> -> memref<10240xi32, #tpu.memory_space<hbm>>
      tpu.wait_dma2 semaphore(%run_scoped3A : memref<!tpu.dma_semaphore, #tpu.memory_space<semaphore_mem>>) src(%dma_wait3A_23 : memref<10240xi32, #tpu.memory_space<hbm>>) dst(%arg8 : memref<10240xi32, #tpu.memory_space<vmem>>)
      tpu.yield
    }) : () -> ()
    "tpu.region"() ({
      %run_scoped3A = tpu.sem_alloc : memref<!tpu.dma_semaphore, #tpu.memory_space<semaphore_mem>>
      %dma_start3A = arith.constant 0 : i32
      %dma_start3A_14 = arith.constant 0 : i32
      %dma_start3A_15 = tpu.memref_slice %arg5[%add3A, %dma_start3A, %dma_start3A_14] : memref<32x160x64xi32, #tpu.memory_space<hbm>> -> memref<1x160x64xi32, #tpu.memory_space<hbm>>
      %dma_start3A_16 = tpu.memref_squeeze %dma_start3A_15 : memref<1x160x64xi32, #tpu.memory_space<hbm>> -> memref<160x64xi32, #tpu.memory_space<hbm>>
      %dma_start3A_17 = arith.constant 0 : i32
      %dma_start3A_18 = arith.constant 0 : i32
      %dma_start3A_19 = tpu.memref_slice %arg5[%add3A, %dma_start3A_17, %dma_start3A_18] : memref<32x160x64xi32, #tpu.memory_space<hbm>> -> memref<1x160x64xi32, #tpu.memory_space<hbm>>
      %dma_start3A_20 = tpu.memref_squeeze %dma_start3A_19 : memref<1x160x64xi32, #tpu.memory_space<hbm>> -> memref<160x64xi32, #tpu.memory_space<hbm>>
      tpu.enqueue_dma source(%dma_start3A_20 : memref<160x64xi32, #tpu.memory_space<hbm>>) target(%arg9 : memref<160x64xi32, #tpu.memory_space<vmem>>) target_semaphore(%run_scoped3A : memref<!tpu.dma_semaphore, #tpu.memory_space<semaphore_mem>>)
      %dma_wait3A = arith.constant 0 : i32
      %dma_wait3A_21 = arith.constant 0 : i32
      %dma_wait3A_22 = tpu.memref_slice %arg5[%add3A, %dma_wait3A, %dma_wait3A_21] : memref<32x160x64xi32, #tpu.memory_space<hbm>> -> memref<1x160x64xi32, #tpu.memory_space<hbm>>
      %dma_wait3A_23 = tpu.memref_squeeze %dma_wait3A_22 : memref<1x160x64xi32, #tpu.memory_space<hbm>> -> memref<160x64xi32, #tpu.memory_space<hbm>>
      %dma_wait3A_24 = arith.constant 0 : i32
      %dma_wait3A_25 = arith.constant 0 : i32
      %dma_wait3A_26 = tpu.memref_slice %arg5[%add3A, %dma_wait3A_24, %dma_wait3A_25] : memref<32x160x64xi32, #tpu.memory_space<hbm>> -> memref<1x160x64xi32, #tpu.memory_space<hbm>>
      %dma_wait3A_27 = tpu.memref_squeeze %dma_wait3A_26 : memref<1x160x64xi32, #tpu.memory_space<hbm>> -> memref<160x64xi32, #tpu.memory_space<hbm>>
      tpu.wait_dma2 semaphore(%run_scoped3A : memref<!tpu.dma_semaphore, #tpu.memory_space<semaphore_mem>>) src(%dma_wait3A_27 : memref<160x64xi32, #tpu.memory_space<hbm>>) dst(%arg9 : memref<160x64xi32, #tpu.memory_space<vmem>>)
      tpu.yield
    }) : () -> ()
    %barrier3A = arith.constant 0 : index
    tpu.barrier barrier_id(%barrier3A)
    %scan3A = arith.constant 0 : i32
    %scan3A_9 = arith.constant 80 : i32
    %scan3A_10 = arith.addi %scan3A, %scan3A_9 : i32
    %scan3A_11 = arith.constant 1 : i32
    scf.for %scan3A_14 = %scan3A to %scan3A_10 step %scan3A_11  : i32 {
      %mul3A_15 = arith.constant 2 : i32
      %mul3A_16 = arith.muli %scan3A_14, %mul3A_15 : i32
      %add3A_17 = arith.constant 0 : i32
      %add3A_18 = arith.addi %add3A_17, %mul3A_16 : i32
      %mul3A_19 = arith.constant 64 : i32
      %mul3A_20 = arith.muli %add3A_18, %mul3A_19 : i32
      %dma_start3A = tpu.memref_slice %arg8[%mul3A_20] : memref<10240xi32, #tpu.memory_space<vmem>> -> memref<64xi32, #tpu.memory_space<vmem>>
      %dma_start3A_21 = arith.constant 0 : i32
      %dma_start3A_22 = arith.constant 0 : i32
      %dma_start3A_23 = tpu.memref_slice %arg2[%dma_start3A_21, %dma_start3A_22] : memref<10240x128xf32, #tpu.memory_space<hbm>> -> memref<10240x128xf32, #tpu.memory_space<hbm>>
      tpu.enqueue_indirect_dma source(%dma_start3A_23 : memref<10240x128xf32, #tpu.memory_space<hbm>>) target(%arg10 : memref<64x128xf32, #tpu.memory_space<vmem>>) offsets(%dma_start3A : memref<64xi32, #tpu.memory_space<vmem>>) semaphore(%arg12 : memref<!tpu.dma_semaphore, #tpu.memory_space<semaphore_mem>>)
      %add3A_24 = arith.constant 1 : i32
      %add3A_25 = arith.addi %add3A_18, %add3A_24 : i32
      %mul3A_26 = arith.constant 64 : i32
      %mul3A_27 = arith.muli %add3A_25, %mul3A_26 : i32
      %dma_start3A_28 = tpu.memref_slice %arg8[%mul3A_27] : memref<10240xi32, #tpu.memory_space<vmem>> -> memref<64xi32, #tpu.memory_space<vmem>>
      %dma_start3A_29 = arith.constant 0 : i32
      %dma_start3A_30 = arith.constant 0 : i32
      %dma_start3A_31 = tpu.memref_slice %arg2[%dma_start3A_29, %dma_start3A_30] : memref<10240x128xf32, #tpu.memory_space<hbm>> -> memref<10240x128xf32, #tpu.memory_space<hbm>>
      tpu.enqueue_indirect_dma source(%dma_start3A_31 : memref<10240x128xf32, #tpu.memory_space<hbm>>) target(%arg11 : memref<64x128xf32, #tpu.memory_space<vmem>>) offsets(%dma_start3A_28 : memref<64xi32, #tpu.memory_space<vmem>>) semaphore(%arg13 : memref<!tpu.dma_semaphore, #tpu.memory_space<semaphore_mem>>)
      %dma_wait3A = tpu.memref_slice %arg8[%mul3A_20] : memref<10240xi32, #tpu.memory_space<vmem>> -> memref<64xi32, #tpu.memory_space<vmem>>
      %dma_wait3A_32 = arith.constant 0 : i32
      %dma_wait3A_33 = arith.constant 0 : i32
      %dma_wait3A_34 = tpu.memref_slice %arg2[%dma_wait3A_32, %dma_wait3A_33] : memref<10240x128xf32, #tpu.memory_space<hbm>> -> memref<10240x128xf32, #tpu.memory_space<hbm>>
      tpu.wait_indirect_dma semaphore(%arg12 : memref<!tpu.dma_semaphore, #tpu.memory_space<semaphore_mem>>) src(%dma_wait3A_34 : memref<10240x128xf32, #tpu.memory_space<hbm>>) dst(%arg10 : memref<64x128xf32, #tpu.memory_space<vmem>>)
      "tpu.region"() ({
        %run_scoped3A = tpu.sem_alloc : memref<!tpu.dma_semaphore, #tpu.memory_space<semaphore_mem>>
        %dma_start3A_41 = arith.constant 0 : i32
        %dma_start3A_42 = tpu.memref_slice %arg9[%add3A_18, %dma_start3A_41] : memref<160x64xi32, #tpu.memory_space<vmem>> -> memref<1x64xi32, #tpu.memory_space<vmem>>
        %dma_start3A_43 = tpu.memref_squeeze %dma_start3A_42 : memref<1x64xi32, #tpu.memory_space<vmem>> -> memref<64xi32, #tpu.memory_space<vmem>>
        %dma_start3A_44 = arith.constant 0 : i32
        %dma_start3A_45 = arith.constant 0 : i32
        %dma_start3A_46 = tpu.memref_slice %arg7[%dma_start3A_44, %dma_start3A_45] : memref<10240x128xf32, #tpu.memory_space<vmem_shared>> -> memref<10240x128xf32, #tpu.memory_space<vmem_shared>>
        tpu.enqueue_indirect_dma source(%arg10 : memref<64x128xf32, #tpu.memory_space<vmem>>) target(%dma_start3A_46 : memref<10240x128xf32, #tpu.memory_space<vmem_shared>>) offsets(%dma_start3A_43 : memref<64xi32, #tpu.memory_space<vmem>>) semaphore(%run_scoped3A : memref<!tpu.dma_semaphore, #tpu.memory_space<semaphore_mem>>) {add = true}
        %dma_wait3A_47 = arith.constant 0 : i32
        %dma_wait3A_48 = tpu.memref_slice %arg9[%add3A_18, %dma_wait3A_47] : memref<160x64xi32, #tpu.memory_space<vmem>> -> memref<1x64xi32, #tpu.memory_space<vmem>>
        %dma_wait3A_49 = tpu.memref_squeeze %dma_wait3A_48 : memref<1x64xi32, #tpu.memory_space<vmem>> -> memref<64xi32, #tpu.memory_space<vmem>>
        %dma_wait3A_50 = arith.constant 0 : i32
        %dma_wait3A_51 = arith.constant 0 : i32
        %dma_wait3A_52 = tpu.memref_slice %arg7[%dma_wait3A_50, %dma_wait3A_51] : memref<10240x128xf32, #tpu.memory_space<vmem_shared>> -> memref<10240x128xf32, #tpu.memory_space<vmem_shared>>
        tpu.wait_indirect_dma semaphore(%run_scoped3A : memref<!tpu.dma_semaphore, #tpu.memory_space<semaphore_mem>>) src(%arg10 : memref<64x128xf32, #tpu.memory_space<vmem>>) dst(%dma_wait3A_52 : memref<10240x128xf32, #tpu.memory_space<vmem_shared>>)
        tpu.yield
      }) : () -> ()
      %dma_wait3A_35 = tpu.memref_slice %arg8[%mul3A_27] : memref<10240xi32, #tpu.memory_space<vmem>> -> memref<64xi32, #tpu.memory_space<vmem>>
      %dma_wait3A_36 = arith.constant 0 : i32
      %dma_wait3A_37 = arith.constant 0 : i32
      %dma_wait3A_38 = tpu.memref_slice %arg2[%dma_wait3A_36, %dma_wait3A_37] : memref<10240x128xf32, #tpu.memory_space<hbm>> -> memref<10240x128xf32, #tpu.memory_space<hbm>>
      tpu.wait_indirect_dma semaphore(%arg13 : memref<!tpu.dma_semaphore, #tpu.memory_space<semaphore_mem>>) src(%dma_wait3A_38 : memref<10240x128xf32, #tpu.memory_space<hbm>>) dst(%arg11 : memref<64x128xf32, #tpu.memory_space<vmem>>)
      %add3A_39 = arith.constant 1 : i32
      %add3A_40 = arith.addi %add3A_18, %add3A_39 : i32
      "tpu.region"() ({
        %run_scoped3A = tpu.sem_alloc : memref<!tpu.dma_semaphore, #tpu.memory_space<semaphore_mem>>
        %dma_start3A_41 = arith.constant 0 : i32
        %dma_start3A_42 = tpu.memref_slice %arg9[%add3A_40, %dma_start3A_41] : memref<160x64xi32, #tpu.memory_space<vmem>> -> memref<1x64xi32, #tpu.memory_space<vmem>>
        %dma_start3A_43 = tpu.memref_squeeze %dma_start3A_42 : memref<1x64xi32, #tpu.memory_space<vmem>> -> memref<64xi32, #tpu.memory_space<vmem>>
        %dma_start3A_44 = arith.constant 0 : i32
        %dma_start3A_45 = arith.constant 0 : i32
        %dma_start3A_46 = tpu.memref_slice %arg7[%dma_start3A_44, %dma_start3A_45] : memref<10240x128xf32, #tpu.memory_space<vmem_shared>> -> memref<10240x128xf32, #tpu.memory_space<vmem_shared>>
        tpu.enqueue_indirect_dma source(%arg11 : memref<64x128xf32, #tpu.memory_space<vmem>>) target(%dma_start3A_46 : memref<10240x128xf32, #tpu.memory_space<vmem_shared>>) offsets(%dma_start3A_43 : memref<64xi32, #tpu.memory_space<vmem>>) semaphore(%run_scoped3A : memref<!tpu.dma_semaphore, #tpu.memory_space<semaphore_mem>>) {add = true}
        %dma_wait3A_47 = arith.constant 0 : i32
        %dma_wait3A_48 = tpu.memref_slice %arg9[%add3A_40, %dma_wait3A_47] : memref<160x64xi32, #tpu.memory_space<vmem>> -> memref<1x64xi32, #tpu.memory_space<vmem>>
        %dma_wait3A_49 = tpu.memref_squeeze %dma_wait3A_48 : memref<1x64xi32, #tpu.memory_space<vmem>> -> memref<64xi32, #tpu.memory_space<vmem>>
        %dma_wait3A_50 = arith.constant 0 : i32
        %dma_wait3A_51 = arith.constant 0 : i32
        %dma_wait3A_52 = tpu.memref_slice %arg7[%dma_wait3A_50, %dma_wait3A_51] : memref<10240x128xf32, #tpu.memory_space<vmem_shared>> -> memref<10240x128xf32, #tpu.memory_space<vmem_shared>>
        tpu.wait_indirect_dma semaphore(%run_scoped3A : memref<!tpu.dma_semaphore, #tpu.memory_space<semaphore_mem>>) src(%arg11 : memref<64x128xf32, #tpu.memory_space<vmem>>) dst(%dma_wait3A_52 : memref<10240x128xf32, #tpu.memory_space<vmem_shared>>)
        tpu.yield
      }) : () -> ()
    }
    %scan3A_12 = arith.constant 80 : i32
    %barrier3A_13 = arith.constant 0 : index
    tpu.barrier barrier_id(%barrier3A_13)
    "tpu.region"() ({
      %run_scoped3A = tpu.sem_alloc : memref<!tpu.dma_semaphore, #tpu.memory_space<semaphore_mem>>
      %dma_start3A = arith.constant 0 : i32
      %dma_start3A_14 = tpu.memref_slice %arg6[%arg0, %mul3A_2, %dma_start3A] : memref<2x10240x128xf32, #tpu.memory_space<hbm>> -> memref<1x640x128xf32, #tpu.memory_space<hbm>>
      %dma_start3A_15 = tpu.memref_squeeze %dma_start3A_14 : memref<1x640x128xf32, #tpu.memory_space<hbm>> -> memref<640x128xf32, #tpu.memory_space<hbm>>
      %dma_start3A_16 = arith.constant 0 : i32
      %dma_start3A_17 = tpu.memref_slice %arg7[%mul3A_2, %dma_start3A_16] : memref<10240x128xf32, #tpu.memory_space<vmem_shared>> -> memref<640x128xf32, #tpu.memory_space<vmem_shared>>
      tpu.enqueue_dma source(%dma_start3A_17 : memref<640x128xf32, #tpu.memory_space<vmem_shared>>) target(%dma_start3A_15 : memref<640x128xf32, #tpu.memory_space<hbm>>) target_semaphore(%run_scoped3A : memref<!tpu.dma_semaphore, #tpu.memory_space<semaphore_mem>>)
      %dma_wait3A = arith.constant 0 : i32
      %dma_wait3A_18 = tpu.memref_slice %arg6[%arg0, %mul3A_2, %dma_wait3A] : memref<2x10240x128xf32, #tpu.memory_space<hbm>> -> memref<1x640x128xf32, #tpu.memory_space<hbm>>
      %dma_wait3A_19 = tpu.memref_squeeze %dma_wait3A_18 : memref<1x640x128xf32, #tpu.memory_space<hbm>> -> memref<640x128xf32, #tpu.memory_space<hbm>>
      %dma_wait3A_20 = arith.constant 0 : i32
      %dma_wait3A_21 = tpu.memref_slice %arg7[%mul3A_2, %dma_wait3A_20] : memref<10240x128xf32, #tpu.memory_space<vmem_shared>> -> memref<640x128xf32, #tpu.memory_space<vmem_shared>>
      tpu.wait_dma2 semaphore(%run_scoped3A : memref<!tpu.dma_semaphore, #tpu.memory_space<semaphore_mem>>) src(%dma_wait3A_21 : memref<640x128xf32, #tpu.memory_space<vmem_shared>>) dst(%dma_wait3A_19 : memref<640x128xf32, #tpu.memory_space<hbm>>)
      tpu.yield
    }) : () -> ()
    return
  }
}

#map = affine_map<(d0, d1) -> (0, 0)>
#map1 = affine_map<(d0, d1) -> (0, 0, 0)>
module attributes {stable_mosaic.version = 14 : i64} {
  func.func @agg(%arg0: i32, %arg1: i32, %arg2: memref<10240x128xf32, #tpu.memory_space<hbm>>, %arg3: memref<10240x128xf32, #tpu.memory_space<hbm>>, %arg4: memref<32x10240xi32, #tpu.memory_space<hbm>>, %arg5: memref<32x160x64xi32, #tpu.memory_space<hbm>>, %arg6: memref<2x10240x128xf32, #tpu.memory_space<hbm>>, %arg7: memref<10240x128xf32, #tpu.memory_space<vmem_shared>>, %arg8: memref<10240xi32, #tpu.memory_space<vmem>>, %arg9: memref<160x64xi32, #tpu.memory_space<vmem>>, %arg10: memref<64x128xf32, #tpu.memory_space<vmem>>, %arg11: memref<64x128xf32, #tpu.memory_space<vmem>>, %arg12: memref<!tpu.dma_semaphore, #tpu.memory_space<semaphore_mem>>, %arg13: memref<!tpu.dma_semaphore, #tpu.memory_space<semaphore_mem>>) attributes {dimension_semantics = [#tpu.dimension_semantics<core_parallel>, #tpu.dimension_semantics<subcore_parallel>], iteration_bounds = array<i64: 2, 16>, scalar_prefetch = 0 : i64, scratch_operands = 7 : i64, tpu.core_type = #tpu.core_type<sc_vector_subcore>, window_params = [{transform_indices = #map}, {transform_indices = #map}, {transform_indices = #map}, {transform_indices = #map1}, {transform_indices = #map1}]} {
    %mul3A = arith.constant 16 : i32
    %mul3A_0 = arith.muli %arg0, %mul3A : i32
    %add3A = arith.addi %mul3A_0, %arg1 : i32
    %mul3A_1 = arith.constant 640 : i32
    %mul3A_2 = arith.muli %arg1, %mul3A_1 : i32
    %eq3A = arith.constant 0 : i32
    %eq3A_3 = arith.cmpi eq, %arg0, %eq3A : i32
    %convert_element_type3A = arith.extui %eq3A_3 : i1 to i32
    %cond3A = arith.constant 0 : i32
    %cond3A_4 = arith.cmpi ne, %convert_element_type3A, %cond3A : i32
    scf.if %cond3A_4 {
      "tpu.region"() ({
        %run_scoped3A = tpu.sem_alloc : memref<!tpu.dma_semaphore, #tpu.memory_space<semaphore_mem>>
        %dma_start3A = arith.constant 0 : i32
        %dma_start3A_14 = tpu.memref_slice %arg7[%mul3A_2, %dma_start3A] : memref<10240x128xf32, #tpu.memory_space<vmem_shared>> -> memref<640x128xf32, #tpu.memory_space<vmem_shared>>
        %dma_start3A_15 = arith.constant 0 : i32
        %dma_start3A_16 = tpu.memref_slice %arg2[%mul3A_2, %dma_start3A_15] : memref<10240x128xf32, #tpu.memory_space<hbm>> -> memref<640x128xf32, #tpu.memory_space<hbm>>
        tpu.enqueue_dma source(%dma_start3A_16 : memref<640x128xf32, #tpu.memory_space<hbm>>) target(%dma_start3A_14 : memref<640x128xf32, #tpu.memory_space<vmem_shared>>) target_semaphore(%run_scoped3A : memref<!tpu.dma_semaphore, #tpu.memory_space<semaphore_mem>>)
        %dma_wait3A = arith.constant 0 : i32
        %dma_wait3A_17 = tpu.memref_slice %arg7[%mul3A_2, %dma_wait3A] : memref<10240x128xf32, #tpu.memory_space<vmem_shared>> -> memref<640x128xf32, #tpu.memory_space<vmem_shared>>
        %dma_wait3A_18 = arith.constant 0 : i32
        %dma_wait3A_19 = tpu.memref_slice %arg2[%mul3A_2, %dma_wait3A_18] : memref<10240x128xf32, #tpu.memory_space<hbm>> -> memref<640x128xf32, #tpu.memory_space<hbm>>
        tpu.wait_dma2 semaphore(%run_scoped3A : memref<!tpu.dma_semaphore, #tpu.memory_space<semaphore_mem>>) src(%dma_wait3A_19 : memref<640x128xf32, #tpu.memory_space<hbm>>) dst(%dma_wait3A_17 : memref<640x128xf32, #tpu.memory_space<vmem_shared>>)
        tpu.yield
      }) : () -> ()
    } else {
    }
    %ne3A = arith.constant 0 : i32
    %ne3A_5 = arith.cmpi ne, %arg0, %ne3A : i32
    %convert_element_type3A_6 = arith.extui %ne3A_5 : i1 to i32
    %cond3A_7 = arith.constant 0 : i32
    %cond3A_8 = arith.cmpi ne, %convert_element_type3A_6, %cond3A_7 : i32
    scf.if %cond3A_8 {
      "tpu.region"() ({
        %run_scoped3A = tpu.sem_alloc : memref<!tpu.dma_semaphore, #tpu.memory_space<semaphore_mem>>
        %dma_start3A = arith.constant 0 : i32
        %dma_start3A_14 = tpu.memref_slice %arg7[%mul3A_2, %dma_start3A] : memref<10240x128xf32, #tpu.memory_space<vmem_shared>> -> memref<640x128xf32, #tpu.memory_space<vmem_shared>>
        %dma_start3A_15 = arith.constant 0 : i32
        %dma_start3A_16 = tpu.memref_slice %arg3[%mul3A_2, %dma_start3A_15] : memref<10240x128xf32, #tpu.memory_space<hbm>> -> memref<640x128xf32, #tpu.memory_space<hbm>>
        tpu.enqueue_dma source(%dma_start3A_16 : memref<640x128xf32, #tpu.memory_space<hbm>>) target(%dma_start3A_14 : memref<640x128xf32, #tpu.memory_space<vmem_shared>>) target_semaphore(%run_scoped3A : memref<!tpu.dma_semaphore, #tpu.memory_space<semaphore_mem>>)
        %dma_wait3A = arith.constant 0 : i32
        %dma_wait3A_17 = tpu.memref_slice %arg7[%mul3A_2, %dma_wait3A] : memref<10240x128xf32, #tpu.memory_space<vmem_shared>> -> memref<640x128xf32, #tpu.memory_space<vmem_shared>>
        %dma_wait3A_18 = arith.constant 0 : i32
        %dma_wait3A_19 = tpu.memref_slice %arg3[%mul3A_2, %dma_wait3A_18] : memref<10240x128xf32, #tpu.memory_space<hbm>> -> memref<640x128xf32, #tpu.memory_space<hbm>>
        tpu.wait_dma2 semaphore(%run_scoped3A : memref<!tpu.dma_semaphore, #tpu.memory_space<semaphore_mem>>) src(%dma_wait3A_19 : memref<640x128xf32, #tpu.memory_space<hbm>>) dst(%dma_wait3A_17 : memref<640x128xf32, #tpu.memory_space<vmem_shared>>)
        tpu.yield
      }) : () -> ()
    } else {
    }
    "tpu.region"() ({
      %run_scoped3A = tpu.sem_alloc : memref<!tpu.dma_semaphore, #tpu.memory_space<semaphore_mem>>
      %dma_start3A = arith.constant 0 : i32
      %dma_start3A_14 = tpu.memref_slice %arg4[%add3A, %dma_start3A] : memref<32x10240xi32, #tpu.memory_space<hbm>> -> memref<1x10240xi32, #tpu.memory_space<hbm>>
      %dma_start3A_15 = tpu.memref_squeeze %dma_start3A_14 : memref<1x10240xi32, #tpu.memory_space<hbm>> -> memref<10240xi32, #tpu.memory_space<hbm>>
      %dma_start3A_16 = arith.constant 0 : i32
      %dma_start3A_17 = tpu.memref_slice %arg4[%add3A, %dma_start3A_16] : memref<32x10240xi32, #tpu.memory_space<hbm>> -> memref<1x10240xi32, #tpu.memory_space<hbm>>
      %dma_start3A_18 = tpu.memref_squeeze %dma_start3A_17 : memref<1x10240xi32, #tpu.memory_space<hbm>> -> memref<10240xi32, #tpu.memory_space<hbm>>
      tpu.enqueue_dma source(%dma_start3A_18 : memref<10240xi32, #tpu.memory_space<hbm>>) target(%arg8 : memref<10240xi32, #tpu.memory_space<vmem>>) target_semaphore(%run_scoped3A : memref<!tpu.dma_semaphore, #tpu.memory_space<semaphore_mem>>)
      %dma_wait3A = arith.constant 0 : i32
      %dma_wait3A_19 = tpu.memref_slice %arg4[%add3A, %dma_wait3A] : memref<32x10240xi32, #tpu.memory_space<hbm>> -> memref<1x10240xi32, #tpu.memory_space<hbm>>
      %dma_wait3A_20 = tpu.memref_squeeze %dma_wait3A_19 : memref<1x10240xi32, #tpu.memory_space<hbm>> -> memref<10240xi32, #tpu.memory_space<hbm>>
      %dma_wait3A_21 = arith.constant 0 : i32
      %dma_wait3A_22 = tpu.memref_slice %arg4[%add3A, %dma_wait3A_21] : memref<32x10240xi32, #tpu.memory_space<hbm>> -> memref<1x10240xi32, #tpu.memory_space<hbm>>
      %dma_wait3A_23 = tpu.memref_squeeze %dma_wait3A_22 : memref<1x10240xi32, #tpu.memory_space<hbm>> -> memref<10240xi32, #tpu.memory_space<hbm>>
      tpu.wait_dma2 semaphore(%run_scoped3A : memref<!tpu.dma_semaphore, #tpu.memory_space<semaphore_mem>>) src(%dma_wait3A_23 : memref<10240xi32, #tpu.memory_space<hbm>>) dst(%arg8 : memref<10240xi32, #tpu.memory_space<vmem>>)
      tpu.yield
    }) : () -> ()
    "tpu.region"() ({
      %run_scoped3A = tpu.sem_alloc : memref<!tpu.dma_semaphore, #tpu.memory_space<semaphore_mem>>
      %dma_start3A = arith.constant 0 : i32
      %dma_start3A_14 = arith.constant 0 : i32
      %dma_start3A_15 = tpu.memref_slice %arg5[%add3A, %dma_start3A, %dma_start3A_14] : memref<32x160x64xi32, #tpu.memory_space<hbm>> -> memref<1x160x64xi32, #tpu.memory_space<hbm>>
      %dma_start3A_16 = tpu.memref_squeeze %dma_start3A_15 : memref<1x160x64xi32, #tpu.memory_space<hbm>> -> memref<160x64xi32, #tpu.memory_space<hbm>>
      %dma_start3A_17 = arith.constant 0 : i32
      %dma_start3A_18 = arith.constant 0 : i32
      %dma_start3A_19 = tpu.memref_slice %arg5[%add3A, %dma_start3A_17, %dma_start3A_18] : memref<32x160x64xi32, #tpu.memory_space<hbm>> -> memref<1x160x64xi32, #tpu.memory_space<hbm>>
      %dma_start3A_20 = tpu.memref_squeeze %dma_start3A_19 : memref<1x160x64xi32, #tpu.memory_space<hbm>> -> memref<160x64xi32, #tpu.memory_space<hbm>>
      tpu.enqueue_dma source(%dma_start3A_20 : memref<160x64xi32, #tpu.memory_space<hbm>>) target(%arg9 : memref<160x64xi32, #tpu.memory_space<vmem>>) target_semaphore(%run_scoped3A : memref<!tpu.dma_semaphore, #tpu.memory_space<semaphore_mem>>)
      %dma_wait3A = arith.constant 0 : i32
      %dma_wait3A_21 = arith.constant 0 : i32
      %dma_wait3A_22 = tpu.memref_slice %arg5[%add3A, %dma_wait3A, %dma_wait3A_21] : memref<32x160x64xi32, #tpu.memory_space<hbm>> -> memref<1x160x64xi32, #tpu.memory_space<hbm>>
      %dma_wait3A_23 = tpu.memref_squeeze %dma_wait3A_22 : memref<1x160x64xi32, #tpu.memory_space<hbm>> -> memref<160x64xi32, #tpu.memory_space<hbm>>
      %dma_wait3A_24 = arith.constant 0 : i32
      %dma_wait3A_25 = arith.constant 0 : i32
      %dma_wait3A_26 = tpu.memref_slice %arg5[%add3A, %dma_wait3A_24, %dma_wait3A_25] : memref<32x160x64xi32, #tpu.memory_space<hbm>> -> memref<1x160x64xi32, #tpu.memory_space<hbm>>
      %dma_wait3A_27 = tpu.memref_squeeze %dma_wait3A_26 : memref<1x160x64xi32, #tpu.memory_space<hbm>> -> memref<160x64xi32, #tpu.memory_space<hbm>>
      tpu.wait_dma2 semaphore(%run_scoped3A : memref<!tpu.dma_semaphore, #tpu.memory_space<semaphore_mem>>) src(%dma_wait3A_27 : memref<160x64xi32, #tpu.memory_space<hbm>>) dst(%arg9 : memref<160x64xi32, #tpu.memory_space<vmem>>)
      tpu.yield
    }) : () -> ()
    %barrier3A = arith.constant 0 : index
    tpu.barrier barrier_id(%barrier3A)
    %scan3A = arith.constant 0 : i32
    %scan3A_9 = arith.constant 80 : i32
    %scan3A_10 = arith.addi %scan3A, %scan3A_9 : i32
    %scan3A_11 = arith.constant 1 : i32
    scf.for %scan3A_14 = %scan3A to %scan3A_10 step %scan3A_11  : i32 {
      %mul3A_15 = arith.constant 2 : i32
      %mul3A_16 = arith.muli %scan3A_14, %mul3A_15 : i32
      %add3A_17 = arith.constant 0 : i32
      %add3A_18 = arith.addi %add3A_17, %mul3A_16 : i32
      %mul3A_19 = arith.constant 64 : i32
      %mul3A_20 = arith.muli %add3A_18, %mul3A_19 : i32
      %dma_start3A = tpu.memref_slice %arg8[%mul3A_20] : memref<10240xi32, #tpu.memory_space<vmem>> -> memref<64xi32, #tpu.memory_space<vmem>>
      %dma_start3A_21 = arith.constant 0 : i32
      %dma_start3A_22 = arith.constant 0 : i32
      %dma_start3A_23 = tpu.memref_slice %arg2[%dma_start3A_21, %dma_start3A_22] : memref<10240x128xf32, #tpu.memory_space<hbm>> -> memref<10240x128xf32, #tpu.memory_space<hbm>>
      tpu.enqueue_indirect_dma source(%dma_start3A_23 : memref<10240x128xf32, #tpu.memory_space<hbm>>) target(%arg10 : memref<64x128xf32, #tpu.memory_space<vmem>>) offsets(%dma_start3A : memref<64xi32, #tpu.memory_space<vmem>>) semaphore(%arg12 : memref<!tpu.dma_semaphore, #tpu.memory_space<semaphore_mem>>)
      %add3A_24 = arith.constant 1 : i32
      %add3A_25 = arith.addi %add3A_18, %add3A_24 : i32
      %mul3A_26 = arith.constant 64 : i32
      %mul3A_27 = arith.muli %add3A_25, %mul3A_26 : i32
      %dma_start3A_28 = tpu.memref_slice %arg8[%mul3A_27] : memref<10240xi32, #tpu.memory_space<vmem>> -> memref<64xi32, #tpu.memory_space<vmem>>
      %dma_start3A_29 = arith.constant 0 : i32
      %dma_start3A_30 = arith.constant 0 : i32
      %dma_start3A_31 = tpu.memref_slice %arg2[%dma_start3A_29, %dma_start3A_30] : memref<10240x128xf32, #tpu.memory_space<hbm>> -> memref<10240x128xf32, #tpu.memory_space<hbm>>
      tpu.enqueue_indirect_dma source(%dma_start3A_31 : memref<10240x128xf32, #tpu.memory_space<hbm>>) target(%arg11 : memref<64x128xf32, #tpu.memory_space<vmem>>) offsets(%dma_start3A_28 : memref<64xi32, #tpu.memory_space<vmem>>) semaphore(%arg13 : memref<!tpu.dma_semaphore, #tpu.memory_space<semaphore_mem>>)
      %dma_wait3A = tpu.memref_slice %arg8[%mul3A_20] : memref<10240xi32, #tpu.memory_space<vmem>> -> memref<64xi32, #tpu.memory_space<vmem>>
      %dma_wait3A_32 = arith.constant 0 : i32
      %dma_wait3A_33 = arith.constant 0 : i32
      %dma_wait3A_34 = tpu.memref_slice %arg2[%dma_wait3A_32, %dma_wait3A_33] : memref<10240x128xf32, #tpu.memory_space<hbm>> -> memref<10240x128xf32, #tpu.memory_space<hbm>>
      tpu.wait_indirect_dma semaphore(%arg12 : memref<!tpu.dma_semaphore, #tpu.memory_space<semaphore_mem>>) src(%dma_wait3A_34 : memref<10240x128xf32, #tpu.memory_space<hbm>>) dst(%arg10 : memref<64x128xf32, #tpu.memory_space<vmem>>)
      "tpu.region"() ({
        %run_scoped3A = tpu.sem_alloc : memref<!tpu.dma_semaphore, #tpu.memory_space<semaphore_mem>>
        %dma_start3A_41 = arith.constant 0 : i32
        %dma_start3A_42 = tpu.memref_slice %arg9[%add3A_18, %dma_start3A_41] : memref<160x64xi32, #tpu.memory_space<vmem>> -> memref<1x64xi32, #tpu.memory_space<vmem>>
        %dma_start3A_43 = tpu.memref_squeeze %dma_start3A_42 : memref<1x64xi32, #tpu.memory_space<vmem>> -> memref<64xi32, #tpu.memory_space<vmem>>
        %dma_start3A_44 = arith.constant 0 : i32
        %dma_start3A_45 = arith.constant 0 : i32
        %dma_start3A_46 = tpu.memref_slice %arg7[%dma_start3A_44, %dma_start3A_45] : memref<10240x128xf32, #tpu.memory_space<vmem_shared>> -> memref<10240x128xf32, #tpu.memory_space<vmem_shared>>
        tpu.enqueue_indirect_dma source(%arg10 : memref<64x128xf32, #tpu.memory_space<vmem>>) target(%dma_start3A_46 : memref<10240x128xf32, #tpu.memory_space<vmem_shared>>) offsets(%dma_start3A_43 : memref<64xi32, #tpu.memory_space<vmem>>) semaphore(%run_scoped3A : memref<!tpu.dma_semaphore, #tpu.memory_space<semaphore_mem>>) {add = true}
        %dma_wait3A_47 = arith.constant 0 : i32
        %dma_wait3A_48 = tpu.memref_slice %arg9[%add3A_18, %dma_wait3A_47] : memref<160x64xi32, #tpu.memory_space<vmem>> -> memref<1x64xi32, #tpu.memory_space<vmem>>
        %dma_wait3A_49 = tpu.memref_squeeze %dma_wait3A_48 : memref<1x64xi32, #tpu.memory_space<vmem>> -> memref<64xi32, #tpu.memory_space<vmem>>
        %dma_wait3A_50 = arith.constant 0 : i32
        %dma_wait3A_51 = arith.constant 0 : i32
        %dma_wait3A_52 = tpu.memref_slice %arg7[%dma_wait3A_50, %dma_wait3A_51] : memref<10240x128xf32, #tpu.memory_space<vmem_shared>> -> memref<10240x128xf32, #tpu.memory_space<vmem_shared>>
        tpu.wait_indirect_dma semaphore(%run_scoped3A : memref<!tpu.dma_semaphore, #tpu.memory_space<semaphore_mem>>) src(%arg10 : memref<64x128xf32, #tpu.memory_space<vmem>>) dst(%dma_wait3A_52 : memref<10240x128xf32, #tpu.memory_space<vmem_shared>>)
        tpu.yield
      }) : () -> ()
      %dma_wait3A_35 = tpu.memref_slice %arg8[%mul3A_27] : memref<10240xi32, #tpu.memory_space<vmem>> -> memref<64xi32, #tpu.memory_space<vmem>>
      %dma_wait3A_36 = arith.constant 0 : i32
      %dma_wait3A_37 = arith.constant 0 : i32
      %dma_wait3A_38 = tpu.memref_slice %arg2[%dma_wait3A_36, %dma_wait3A_37] : memref<10240x128xf32, #tpu.memory_space<hbm>> -> memref<10240x128xf32, #tpu.memory_space<hbm>>
      tpu.wait_indirect_dma semaphore(%arg13 : memref<!tpu.dma_semaphore, #tpu.memory_space<semaphore_mem>>) src(%dma_wait3A_38 : memref<10240x128xf32, #tpu.memory_space<hbm>>) dst(%arg11 : memref<64x128xf32, #tpu.memory_space<vmem>>)
      %add3A_39 = arith.constant 1 : i32
      %add3A_40 = arith.addi %add3A_18, %add3A_39 : i32
      "tpu.region"() ({
        %run_scoped3A = tpu.sem_alloc : memref<!tpu.dma_semaphore, #tpu.memory_space<semaphore_mem>>
        %dma_start3A_41 = arith.constant 0 : i32
        %dma_start3A_42 = tpu.memref_slice %arg9[%add3A_40, %dma_start3A_41] : memref<160x64xi32, #tpu.memory_space<vmem>> -> memref<1x64xi32, #tpu.memory_space<vmem>>
        %dma_start3A_43 = tpu.memref_squeeze %dma_start3A_42 : memref<1x64xi32, #tpu.memory_space<vmem>> -> memref<64xi32, #tpu.memory_space<vmem>>
        %dma_start3A_44 = arith.constant 0 : i32
        %dma_start3A_45 = arith.constant 0 : i32
        %dma_start3A_46 = tpu.memref_slice %arg7[%dma_start3A_44, %dma_start3A_45] : memref<10240x128xf32, #tpu.memory_space<vmem_shared>> -> memref<10240x128xf32, #tpu.memory_space<vmem_shared>>
        tpu.enqueue_indirect_dma source(%arg11 : memref<64x128xf32, #tpu.memory_space<vmem>>) target(%dma_start3A_46 : memref<10240x128xf32, #tpu.memory_space<vmem_shared>>) offsets(%dma_start3A_43 : memref<64xi32, #tpu.memory_space<vmem>>) semaphore(%run_scoped3A : memref<!tpu.dma_semaphore, #tpu.memory_space<semaphore_mem>>) {add = true}
        %dma_wait3A_47 = arith.constant 0 : i32
        %dma_wait3A_48 = tpu.memref_slice %arg9[%add3A_40, %dma_wait3A_47] : memref<160x64xi32, #tpu.memory_space<vmem>> -> memref<1x64xi32, #tpu.memory_space<vmem>>
        %dma_wait3A_49 = tpu.memref_squeeze %dma_wait3A_48 : memref<1x64xi32, #tpu.memory_space<vmem>> -> memref<64xi32, #tpu.memory_space<vmem>>
        %dma_wait3A_50 = arith.constant 0 : i32
        %dma_wait3A_51 = arith.constant 0 : i32
        %dma_wait3A_52 = tpu.memref_slice %arg7[%dma_wait3A_50, %dma_wait3A_51] : memref<10240x128xf32, #tpu.memory_space<vmem_shared>> -> memref<10240x128xf32, #tpu.memory_space<vmem_shared>>
        tpu.wait_indirect_dma semaphore(%run_scoped3A : memref<!tpu.dma_semaphore, #tpu.memory_space<semaphore_mem>>) src(%arg11 : memref<64x128xf32, #tpu.memory_space<vmem>>) dst(%dma_wait3A_52 : memref<10240x128xf32, #tpu.memory_space<vmem_shared>>)
        tpu.yield
      }) : () -> ()
    }
    %scan3A_12 = arith.constant 80 : i32
    %barrier3A_13 = arith.constant 0 : index
    tpu.barrier barrier_id(%barrier3A_13)
    "tpu.region"() ({
      %run_scoped3A = tpu.sem_alloc : memref<!tpu.dma_semaphore, #tpu.memory_space<semaphore_mem>>
      %dma_start3A = arith.constant 0 : i32
      %dma_start3A_14 = tpu.memref_slice %arg6[%arg0, %mul3A_2, %dma_start3A] : memref<2x10240x128xf32, #tpu.memory_space<hbm>> -> memref<1x640x128xf32, #tpu.memory_space<hbm>>
      %dma_start3A_15 = tpu.memref_squeeze %dma_start3A_14 : memref<1x640x128xf32, #tpu.memory_space<hbm>> -> memref<640x128xf32, #tpu.memory_space<hbm>>
      %dma_start3A_16 = arith.constant 0 : i32
      %dma_start3A_17 = tpu.memref_slice %arg7[%mul3A_2, %dma_start3A_16] : memref<10240x128xf32, #tpu.memory_space<vmem_shared>> -> memref<640x128xf32, #tpu.memory_space<vmem_shared>>
      tpu.enqueue_dma source(%dma_start3A_17 : memref<640x128xf32, #tpu.memory_space<vmem_shared>>) target(%dma_start3A_15 : memref<640x128xf32, #tpu.memory_space<hbm>>) target_semaphore(%run_scoped3A : memref<!tpu.dma_semaphore, #tpu.memory_space<semaphore_mem>>)
      %dma_wait3A = arith.constant 0 : i32
      %dma_wait3A_18 = tpu.memref_slice %arg6[%arg0, %mul3A_2, %dma_wait3A] : memref<2x10240x128xf32, #tpu.memory_space<hbm>> -> memref<1x640x128xf32, #tpu.memory_space<hbm>>
      %dma_wait3A_19 = tpu.memref_squeeze %dma_wait3A_18 : memref<1x640x128xf32, #tpu.memory_space<hbm>> -> memref<640x128xf32, #tpu.memory_space<hbm>>
      %dma_wait3A_20 = arith.constant 0 : i32
      %dma_wait3A_21 = tpu.memref_slice %arg7[%mul3A_2, %dma_wait3A_20] : memref<10240x128xf32, #tpu.memory_space<vmem_shared>> -> memref<640x128xf32, #tpu.memory_space<vmem_shared>>
      tpu.wait_dma2 semaphore(%run_scoped3A : memref<!tpu.dma_semaphore, #tpu.memory_space<semaphore_mem>>) src(%dma_wait3A_21 : memref<640x128xf32, #tpu.memory_space<vmem_shared>>) dst(%dma_wait3A_19 : memref<640x128xf32, #tpu.memory_space<hbm>>)
      tpu.yield
    }) : () -> ()
    return
  }
}

#map = affine_map<(d0, d1) -> (0)>
#map1 = affine_map<(d0, d1) -> (0, 0, 0)>
#map2 = affine_map<(d0, d1) -> (0, 0)>
module attributes {stable_mosaic.version = 14 : i64} {
  func.func @_deg(%arg0: i32, %arg1: i32, %arg2: memref<10240xf32, #tpu.memory_space<hbm>>, %arg3: memref<32x80x128xi32, #tpu.memory_space<hbm>>, %arg4: memref<2x10240xf32, #tpu.memory_space<hbm>>, %arg5: memref<10240xf32, #tpu.memory_space<vmem_shared>>, %arg6: memref<80x128xi32, #tpu.memory_space<vmem>>, %arg7: memref<128xf32, #tpu.memory_space<vmem>>) attributes {dimension_semantics = [#tpu.dimension_semantics<core_parallel>, #tpu.dimension_semantics<subcore_parallel>], iteration_bounds = array<i64: 2, 16>, scalar_prefetch = 0 : i64, scratch_operands = 3 : i64, tpu.core_type = #tpu.core_type<sc_vector_subcore>, window_params = [{transform_indices = #map}, {transform_indices = #map1}, {transform_indices = #map2}]} {
    %mul3A = arith.constant 16 : i32
    %mul3A_0 = arith.muli %arg0, %mul3A : i32
    %add3A = arith.addi %mul3A_0, %arg1 : i32
    %mul3A_1 = arith.constant 640 : i32
    %mul3A_2 = arith.muli %arg1, %mul3A_1 : i32
    "tpu.region"() ({
      %run_scoped3A = tpu.sem_alloc : memref<!tpu.dma_semaphore, #tpu.memory_space<semaphore_mem>>
      %dma_start3A = tpu.memref_slice %arg5[%mul3A_2] : memref<10240xf32, #tpu.memory_space<vmem_shared>> -> memref<640xf32, #tpu.memory_space<vmem_shared>>
      %dma_start3A_13 = tpu.memref_slice %arg2[%mul3A_2] : memref<10240xf32, #tpu.memory_space<hbm>> -> memref<640xf32, #tpu.memory_space<hbm>>
      tpu.enqueue_dma source(%dma_start3A_13 : memref<640xf32, #tpu.memory_space<hbm>>) target(%dma_start3A : memref<640xf32, #tpu.memory_space<vmem_shared>>) target_semaphore(%run_scoped3A : memref<!tpu.dma_semaphore, #tpu.memory_space<semaphore_mem>>)
      %dma_wait3A = tpu.memref_slice %arg5[%mul3A_2] : memref<10240xf32, #tpu.memory_space<vmem_shared>> -> memref<640xf32, #tpu.memory_space<vmem_shared>>
      %dma_wait3A_14 = tpu.memref_slice %arg2[%mul3A_2] : memref<10240xf32, #tpu.memory_space<hbm>> -> memref<640xf32, #tpu.memory_space<hbm>>
      tpu.wait_dma2 semaphore(%run_scoped3A : memref<!tpu.dma_semaphore, #tpu.memory_space<semaphore_mem>>) src(%dma_wait3A_14 : memref<640xf32, #tpu.memory_space<hbm>>) dst(%dma_wait3A : memref<640xf32, #tpu.memory_space<vmem_shared>>)
      tpu.yield
    }) : () -> ()
    "tpu.region"() ({
      %run_scoped3A = tpu.sem_alloc : memref<!tpu.dma_semaphore, #tpu.memory_space<semaphore_mem>>
      %dma_start3A = arith.constant 0 : i32
      %dma_start3A_13 = arith.constant 0 : i32
      %dma_start3A_14 = tpu.memref_slice %arg3[%add3A, %dma_start3A, %dma_start3A_13] : memref<32x80x128xi32, #tpu.memory_space<hbm>> -> memref<1x80x128xi32, #tpu.memory_space<hbm>>
      %dma_start3A_15 = tpu.memref_squeeze %dma_start3A_14 : memref<1x80x128xi32, #tpu.memory_space<hbm>> -> memref<80x128xi32, #tpu.memory_space<hbm>>
      %dma_start3A_16 = arith.constant 0 : i32
      %dma_start3A_17 = arith.constant 0 : i32
      %dma_start3A_18 = tpu.memref_slice %arg3[%add3A, %dma_start3A_16, %dma_start3A_17] : memref<32x80x128xi32, #tpu.memory_space<hbm>> -> memref<1x80x128xi32, #tpu.memory_space<hbm>>
      %dma_start3A_19 = tpu.memref_squeeze %dma_start3A_18 : memref<1x80x128xi32, #tpu.memory_space<hbm>> -> memref<80x128xi32, #tpu.memory_space<hbm>>
      tpu.enqueue_dma source(%dma_start3A_19 : memref<80x128xi32, #tpu.memory_space<hbm>>) target(%arg6 : memref<80x128xi32, #tpu.memory_space<vmem>>) target_semaphore(%run_scoped3A : memref<!tpu.dma_semaphore, #tpu.memory_space<semaphore_mem>>)
      %dma_wait3A = arith.constant 0 : i32
      %dma_wait3A_20 = arith.constant 0 : i32
      %dma_wait3A_21 = tpu.memref_slice %arg3[%add3A, %dma_wait3A, %dma_wait3A_20] : memref<32x80x128xi32, #tpu.memory_space<hbm>> -> memref<1x80x128xi32, #tpu.memory_space<hbm>>
      %dma_wait3A_22 = tpu.memref_squeeze %dma_wait3A_21 : memref<1x80x128xi32, #tpu.memory_space<hbm>> -> memref<80x128xi32, #tpu.memory_space<hbm>>
      %dma_wait3A_23 = arith.constant 0 : i32
      %dma_wait3A_24 = arith.constant 0 : i32
      %dma_wait3A_25 = tpu.memref_slice %arg3[%add3A, %dma_wait3A_23, %dma_wait3A_24] : memref<32x80x128xi32, #tpu.memory_space<hbm>> -> memref<1x80x128xi32, #tpu.memory_space<hbm>>
      %dma_wait3A_26 = tpu.memref_squeeze %dma_wait3A_25 : memref<1x80x128xi32, #tpu.memory_space<hbm>> -> memref<80x128xi32, #tpu.memory_space<hbm>>
      tpu.wait_dma2 semaphore(%run_scoped3A : memref<!tpu.dma_semaphore, #tpu.memory_space<semaphore_mem>>) src(%dma_wait3A_26 : memref<80x128xi32, #tpu.memory_space<hbm>>) dst(%arg6 : memref<80x128xi32, #tpu.memory_space<vmem>>)
      tpu.yield
    }) : () -> ()
    %scan3A = arith.constant 0 : i32
    %scan3A_3 = arith.constant 8 : i32
    %scan3A_4 = arith.addi %scan3A, %scan3A_3 : i32
    %scan3A_5 = arith.constant 1 : i32
    scf.for %scan3A_13 = %scan3A to %scan3A_4 step %scan3A_5  : i32 {
      %mul3A_14 = arith.constant 1 : i32
      %mul3A_15 = arith.muli %scan3A_13, %mul3A_14 : i32
      %add3A_16 = arith.constant 0 : i32
      %add3A_17 = arith.addi %add3A_16, %mul3A_15 : i32
      %broadcast_in_dim3A = arith.constant 1.000000e+00 : f32
      %broadcast_in_dim3A_18 = vector.broadcast %broadcast_in_dim3A : f32 to vector<16xf32>
      %mul3A_19 = arith.constant 16 : i32
      %mul3A_20 = arith.muli %add3A_17, %mul3A_19 : i32
      %swap3A = arith.index_cast %mul3A_20 : i32 to index
      %swap3A_21 = tpu.vector_load %arg7[%swap3A] {strides = array<i32>} : memref<128xf32, #tpu.memory_space<vmem>>, vector<16xf32>,
      %swap3A_22 = vector.shape_cast %swap3A_21 : vector<16xf32> to vector<16xf32>
      %swap3A_23 = vector.shape_cast %broadcast_in_dim3A_18 : vector<16xf32> to vector<16xf32>
      tpu.vector_store %arg7[%swap3A], %swap3A_23 {strides = array<i32>} : memref<128xf32, #tpu.memory_space<vmem>>, vector<16xf32>,
    }
    %scan3A_6 = arith.constant 8 : i32
    %barrier3A = arith.constant 0 : index
    tpu.barrier barrier_id(%barrier3A)
    %scan3A_7 = arith.constant 0 : i32
    %scan3A_8 = arith.constant 80 : i32
    %scan3A_9 = arith.addi %scan3A_7, %scan3A_8 : i32
    %scan3A_10 = arith.constant 1 : i32
    scf.for %scan3A_13 = %scan3A_7 to %scan3A_9 step %scan3A_10  : i32 {
      %mul3A_14 = arith.constant 1 : i32
      %mul3A_15 = arith.muli %scan3A_13, %mul3A_14 : i32
      %add3A_16 = arith.constant 0 : i32
      %add3A_17 = arith.addi %add3A_16, %mul3A_15 : i32
      "tpu.region"() ({
        %run_scoped3A = tpu.sem_alloc : memref<!tpu.dma_semaphore, #tpu.memory_space<semaphore_mem>>
        %dma_start3A = arith.constant 0 : i32
        %dma_start3A_18 = tpu.memref_slice %arg6[%add3A_17, %dma_start3A] : memref<80x128xi32, #tpu.memory_space<vmem>> -> memref<1x128xi32, #tpu.memory_space<vmem>>
        %dma_start3A_19 = tpu.memref_squeeze %dma_start3A_18 : memref<1x128xi32, #tpu.memory_space<vmem>> -> memref<128xi32, #tpu.memory_space<vmem>>
        %dma_start3A_20 = arith.constant 0 : i32
        %dma_start3A_21 = tpu.memref_slice %arg5[%dma_start3A_20] : memref<10240xf32, #tpu.memory_space<vmem_shared>> -> memref<10240xf32, #tpu.memory_space<vmem_shared>>
        tpu.enqueue_indirect_dma source(%arg7 : memref<128xf32, #tpu.memory_space<vmem>>) target(%dma_start3A_21 : memref<10240xf32, #tpu.memory_space<vmem_shared>>) offsets(%dma_start3A_19 : memref<128xi32, #tpu.memory_space<vmem>>) semaphore(%run_scoped3A : memref<!tpu.dma_semaphore, #tpu.memory_space<semaphore_mem>>) {add = true}
        %dma_wait3A = arith.constant 0 : i32
        %dma_wait3A_22 = tpu.memref_slice %arg6[%add3A_17, %dma_wait3A] : memref<80x128xi32, #tpu.memory_space<vmem>> -> memref<1x128xi32, #tpu.memory_space<vmem>>
        %dma_wait3A_23 = tpu.memref_squeeze %dma_wait3A_22 : memref<1x128xi32, #tpu.memory_space<vmem>> -> memref<128xi32, #tpu.memory_space<vmem>>
        %dma_wait3A_24 = arith.constant 0 : i32
        %dma_wait3A_25 = tpu.memref_slice %arg5[%dma_wait3A_24] : memref<10240xf32, #tpu.memory_space<vmem_shared>> -> memref<10240xf32, #tpu.memory_space<vmem_shared>>
        tpu.wait_indirect_dma semaphore(%run_scoped3A : memref<!tpu.dma_semaphore, #tpu.memory_space<semaphore_mem>>) src(%arg7 : memref<128xf32, #tpu.memory_space<vmem>>) dst(%dma_wait3A_25 : memref<10240xf32, #tpu.memory_space<vmem_shared>>)
        tpu.yield
      }) : () -> ()
    }
    %scan3A_11 = arith.constant 80 : i32
    %barrier3A_12 = arith.constant 0 : index
    tpu.barrier barrier_id(%barrier3A_12)
    "tpu.region"() ({
      %run_scoped3A = tpu.sem_alloc : memref<!tpu.dma_semaphore, #tpu.memory_space<semaphore_mem>>
      %dma_start3A = tpu.memref_slice %arg4[%arg0, %mul3A_2] : memref<2x10240xf32, #tpu.memory_space<hbm>> -> memref<1x640xf32, #tpu.memory_space<hbm>>
      %dma_start3A_13 = tpu.memref_squeeze %dma_start3A : memref<1x640xf32, #tpu.memory_space<hbm>> -> memref<640xf32, #tpu.memory_space<hbm>>
      %dma_start3A_14 = tpu.memref_slice %arg5[%mul3A_2] : memref<10240xf32, #tpu.memory_space<vmem_shared>> -> memref<640xf32, #tpu.memory_space<vmem_shared>>
      tpu.enqueue_dma source(%dma_start3A_14 : memref<640xf32, #tpu.memory_space<vmem_shared>>) target(%dma_start3A_13 : memref<640xf32, #tpu.memory_space<hbm>>) target_semaphore(%run_scoped3A : memref<!tpu.dma_semaphore, #tpu.memory_space<semaphore_mem>>)
      %dma_wait3A = tpu.memref_slice %arg4[%arg0, %mul3A_2] : memref<2x10240xf32, #tpu.memory_space<hbm>> -> memref<1x640xf32, #tpu.memory_space<hbm>>
      %dma_wait3A_15 = tpu.memref_squeeze %dma_wait3A : memref<1x640xf32, #tpu.memory_space<hbm>> -> memref<640xf32, #tpu.memory_space<hbm>>
      %dma_wait3A_16 = tpu.memref_slice %arg5[%mul3A_2] : memref<10240xf32, #tpu.memory_space<vmem_shared>> -> memref<640xf32, #tpu.memory_space<vmem_shared>>
      tpu.wait_dma2 semaphore(%run_scoped3A : memref<!tpu.dma_semaphore, #tpu.memory_space<semaphore_mem>>) src(%dma_wait3A_16 : memref<640xf32, #tpu.memory_space<vmem_shared>>) dst(%dma_wait3A_15 : memref<640xf32, #tpu.memory_space<hbm>>)
      tpu.yield
    }) : () -> ()
    return
  }
}

#map = affine_map<(d0, d1) -> (0, 0)>
#map1 = affine_map<(d0, d1) -> (0, 0, 0)>
module attributes {stable_mosaic.version = 14 : i64} {
  func.func @agg(%arg0: i32, %arg1: i32, %arg2: memref<10240x128xf32, #tpu.memory_space<hbm>>, %arg3: memref<10240x128xf32, #tpu.memory_space<hbm>>, %arg4: memref<32x10240xi32, #tpu.memory_space<hbm>>, %arg5: memref<32x160x64xi32, #tpu.memory_space<hbm>>, %arg6: memref<2x10240x128xf32, #tpu.memory_space<hbm>>, %arg7: memref<10240x128xf32, #tpu.memory_space<vmem_shared>>, %arg8: memref<10240xi32, #tpu.memory_space<vmem>>, %arg9: memref<160x64xi32, #tpu.memory_space<vmem>>, %arg10: memref<64x128xf32, #tpu.memory_space<vmem>>, %arg11: memref<64x128xf32, #tpu.memory_space<vmem>>, %arg12: memref<!tpu.dma_semaphore, #tpu.memory_space<semaphore_mem>>, %arg13: memref<!tpu.dma_semaphore, #tpu.memory_space<semaphore_mem>>) attributes {dimension_semantics = [#tpu.dimension_semantics<core_parallel>, #tpu.dimension_semantics<subcore_parallel>], iteration_bounds = array<i64: 2, 16>, scalar_prefetch = 0 : i64, scratch_operands = 7 : i64, tpu.core_type = #tpu.core_type<sc_vector_subcore>, window_params = [{transform_indices = #map}, {transform_indices = #map}, {transform_indices = #map}, {transform_indices = #map1}, {transform_indices = #map1}]} {
    %mul3A = arith.constant 16 : i32
    %mul3A_0 = arith.muli %arg0, %mul3A : i32
    %add3A = arith.addi %mul3A_0, %arg1 : i32
    %mul3A_1 = arith.constant 640 : i32
    %mul3A_2 = arith.muli %arg1, %mul3A_1 : i32
    %eq3A = arith.constant 0 : i32
    %eq3A_3 = arith.cmpi eq, %arg0, %eq3A : i32
    %convert_element_type3A = arith.extui %eq3A_3 : i1 to i32
    %cond3A = arith.constant 0 : i32
    %cond3A_4 = arith.cmpi ne, %convert_element_type3A, %cond3A : i32
    scf.if %cond3A_4 {
      "tpu.region"() ({
        %run_scoped3A = tpu.sem_alloc : memref<!tpu.dma_semaphore, #tpu.memory_space<semaphore_mem>>
        %dma_start3A = arith.constant 0 : i32
        %dma_start3A_14 = tpu.memref_slice %arg7[%mul3A_2, %dma_start3A] : memref<10240x128xf32, #tpu.memory_space<vmem_shared>> -> memref<640x128xf32, #tpu.memory_space<vmem_shared>>
        %dma_start3A_15 = arith.constant 0 : i32
        %dma_start3A_16 = tpu.memref_slice %arg2[%mul3A_2, %dma_start3A_15] : memref<10240x128xf32, #tpu.memory_space<hbm>> -> memref<640x128xf32, #tpu.memory_space<hbm>>
        tpu.enqueue_dma source(%dma_start3A_16 : memref<640x128xf32, #tpu.memory_space<hbm>>) target(%dma_start3A_14 : memref<640x128xf32, #tpu.memory_space<vmem_shared>>) target_semaphore(%run_scoped3A : memref<!tpu.dma_semaphore, #tpu.memory_space<semaphore_mem>>)
        %dma_wait3A = arith.constant 0 : i32
        %dma_wait3A_17 = tpu.memref_slice %arg7[%mul3A_2, %dma_wait3A] : memref<10240x128xf32, #tpu.memory_space<vmem_shared>> -> memref<640x128xf32, #tpu.memory_space<vmem_shared>>
        %dma_wait3A_18 = arith.constant 0 : i32
        %dma_wait3A_19 = tpu.memref_slice %arg2[%mul3A_2, %dma_wait3A_18] : memref<10240x128xf32, #tpu.memory_space<hbm>> -> memref<640x128xf32, #tpu.memory_space<hbm>>
        tpu.wait_dma2 semaphore(%run_scoped3A : memref<!tpu.dma_semaphore, #tpu.memory_space<semaphore_mem>>) src(%dma_wait3A_19 : memref<640x128xf32, #tpu.memory_space<hbm>>) dst(%dma_wait3A_17 : memref<640x128xf32, #tpu.memory_space<vmem_shared>>)
        tpu.yield
      }) : () -> ()
    } else {
    }
    %ne3A = arith.constant 0 : i32
    %ne3A_5 = arith.cmpi ne, %arg0, %ne3A : i32
    %convert_element_type3A_6 = arith.extui %ne3A_5 : i1 to i32
    %cond3A_7 = arith.constant 0 : i32
    %cond3A_8 = arith.cmpi ne, %convert_element_type3A_6, %cond3A_7 : i32
    scf.if %cond3A_8 {
      "tpu.region"() ({
        %run_scoped3A = tpu.sem_alloc : memref<!tpu.dma_semaphore, #tpu.memory_space<semaphore_mem>>
        %dma_start3A = arith.constant 0 : i32
        %dma_start3A_14 = tpu.memref_slice %arg7[%mul3A_2, %dma_start3A] : memref<10240x128xf32, #tpu.memory_space<vmem_shared>> -> memref<640x128xf32, #tpu.memory_space<vmem_shared>>
        %dma_start3A_15 = arith.constant 0 : i32
        %dma_start3A_16 = tpu.memref_slice %arg3[%mul3A_2, %dma_start3A_15] : memref<10240x128xf32, #tpu.memory_space<hbm>> -> memref<640x128xf32, #tpu.memory_space<hbm>>
        tpu.enqueue_dma source(%dma_start3A_16 : memref<640x128xf32, #tpu.memory_space<hbm>>) target(%dma_start3A_14 : memref<640x128xf32, #tpu.memory_space<vmem_shared>>) target_semaphore(%run_scoped3A : memref<!tpu.dma_semaphore, #tpu.memory_space<semaphore_mem>>)
        %dma_wait3A = arith.constant 0 : i32
        %dma_wait3A_17 = tpu.memref_slice %arg7[%mul3A_2, %dma_wait3A] : memref<10240x128xf32, #tpu.memory_space<vmem_shared>> -> memref<640x128xf32, #tpu.memory_space<vmem_shared>>
        %dma_wait3A_18 = arith.constant 0 : i32
        %dma_wait3A_19 = tpu.memref_slice %arg3[%mul3A_2, %dma_wait3A_18] : memref<10240x128xf32, #tpu.memory_space<hbm>> -> memref<640x128xf32, #tpu.memory_space<hbm>>
        tpu.wait_dma2 semaphore(%run_scoped3A : memref<!tpu.dma_semaphore, #tpu.memory_space<semaphore_mem>>) src(%dma_wait3A_19 : memref<640x128xf32, #tpu.memory_space<hbm>>) dst(%dma_wait3A_17 : memref<640x128xf32, #tpu.memory_space<vmem_shared>>)
        tpu.yield
      }) : () -> ()
    } else {
    }
    "tpu.region"() ({
      %run_scoped3A = tpu.sem_alloc : memref<!tpu.dma_semaphore, #tpu.memory_space<semaphore_mem>>
      %dma_start3A = arith.constant 0 : i32
      %dma_start3A_14 = tpu.memref_slice %arg4[%add3A, %dma_start3A] : memref<32x10240xi32, #tpu.memory_space<hbm>> -> memref<1x10240xi32, #tpu.memory_space<hbm>>
      %dma_start3A_15 = tpu.memref_squeeze %dma_start3A_14 : memref<1x10240xi32, #tpu.memory_space<hbm>> -> memref<10240xi32, #tpu.memory_space<hbm>>
      %dma_start3A_16 = arith.constant 0 : i32
      %dma_start3A_17 = tpu.memref_slice %arg4[%add3A, %dma_start3A_16] : memref<32x10240xi32, #tpu.memory_space<hbm>> -> memref<1x10240xi32, #tpu.memory_space<hbm>>
      %dma_start3A_18 = tpu.memref_squeeze %dma_start3A_17 : memref<1x10240xi32, #tpu.memory_space<hbm>> -> memref<10240xi32, #tpu.memory_space<hbm>>
      tpu.enqueue_dma source(%dma_start3A_18 : memref<10240xi32, #tpu.memory_space<hbm>>) target(%arg8 : memref<10240xi32, #tpu.memory_space<vmem>>) target_semaphore(%run_scoped3A : memref<!tpu.dma_semaphore, #tpu.memory_space<semaphore_mem>>)
      %dma_wait3A = arith.constant 0 : i32
      %dma_wait3A_19 = tpu.memref_slice %arg4[%add3A, %dma_wait3A] : memref<32x10240xi32, #tpu.memory_space<hbm>> -> memref<1x10240xi32, #tpu.memory_space<hbm>>
      %dma_wait3A_20 = tpu.memref_squeeze %dma_wait3A_19 : memref<1x10240xi32, #tpu.memory_space<hbm>> -> memref<10240xi32, #tpu.memory_space<hbm>>
      %dma_wait3A_21 = arith.constant 0 : i32
      %dma_wait3A_22 = tpu.memref_slice %arg4[%add3A, %dma_wait3A_21] : memref<32x10240xi32, #tpu.memory_space<hbm>> -> memref<1x10240xi32, #tpu.memory_space<hbm>>
      %dma_wait3A_23 = tpu.memref_squeeze %dma_wait3A_22 : memref<1x10240xi32, #tpu.memory_space<hbm>> -> memref<10240xi32, #tpu.memory_space<hbm>>
      tpu.wait_dma2 semaphore(%run_scoped3A : memref<!tpu.dma_semaphore, #tpu.memory_space<semaphore_mem>>) src(%dma_wait3A_23 : memref<10240xi32, #tpu.memory_space<hbm>>) dst(%arg8 : memref<10240xi32, #tpu.memory_space<vmem>>)
      tpu.yield
    }) : () -> ()
    "tpu.region"() ({
      %run_scoped3A = tpu.sem_alloc : memref<!tpu.dma_semaphore, #tpu.memory_space<semaphore_mem>>
      %dma_start3A = arith.constant 0 : i32
      %dma_start3A_14 = arith.constant 0 : i32
      %dma_start3A_15 = tpu.memref_slice %arg5[%add3A, %dma_start3A, %dma_start3A_14] : memref<32x160x64xi32, #tpu.memory_space<hbm>> -> memref<1x160x64xi32, #tpu.memory_space<hbm>>
      %dma_start3A_16 = tpu.memref_squeeze %dma_start3A_15 : memref<1x160x64xi32, #tpu.memory_space<hbm>> -> memref<160x64xi32, #tpu.memory_space<hbm>>
      %dma_start3A_17 = arith.constant 0 : i32
      %dma_start3A_18 = arith.constant 0 : i32
      %dma_start3A_19 = tpu.memref_slice %arg5[%add3A, %dma_start3A_17, %dma_start3A_18] : memref<32x160x64xi32, #tpu.memory_space<hbm>> -> memref<1x160x64xi32, #tpu.memory_space<hbm>>
      %dma_start3A_20 = tpu.memref_squeeze %dma_start3A_19 : memref<1x160x64xi32, #tpu.memory_space<hbm>> -> memref<160x64xi32, #tpu.memory_space<hbm>>
      tpu.enqueue_dma source(%dma_start3A_20 : memref<160x64xi32, #tpu.memory_space<hbm>>) target(%arg9 : memref<160x64xi32, #tpu.memory_space<vmem>>) target_semaphore(%run_scoped3A : memref<!tpu.dma_semaphore, #tpu.memory_space<semaphore_mem>>)
      %dma_wait3A = arith.constant 0 : i32
      %dma_wait3A_21 = arith.constant 0 : i32
      %dma_wait3A_22 = tpu.memref_slice %arg5[%add3A, %dma_wait3A, %dma_wait3A_21] : memref<32x160x64xi32, #tpu.memory_space<hbm>> -> memref<1x160x64xi32, #tpu.memory_space<hbm>>
      %dma_wait3A_23 = tpu.memref_squeeze %dma_wait3A_22 : memref<1x160x64xi32, #tpu.memory_space<hbm>> -> memref<160x64xi32, #tpu.memory_space<hbm>>
      %dma_wait3A_24 = arith.constant 0 : i32
      %dma_wait3A_25 = arith.constant 0 : i32
      %dma_wait3A_26 = tpu.memref_slice %arg5[%add3A, %dma_wait3A_24, %dma_wait3A_25] : memref<32x160x64xi32, #tpu.memory_space<hbm>> -> memref<1x160x64xi32, #tpu.memory_space<hbm>>
      %dma_wait3A_27 = tpu.memref_squeeze %dma_wait3A_26 : memref<1x160x64xi32, #tpu.memory_space<hbm>> -> memref<160x64xi32, #tpu.memory_space<hbm>>
      tpu.wait_dma2 semaphore(%run_scoped3A : memref<!tpu.dma_semaphore, #tpu.memory_space<semaphore_mem>>) src(%dma_wait3A_27 : memref<160x64xi32, #tpu.memory_space<hbm>>) dst(%arg9 : memref<160x64xi32, #tpu.memory_space<vmem>>)
      tpu.yield
    }) : () -> ()
    %barrier3A = arith.constant 0 : index
    tpu.barrier barrier_id(%barrier3A)
    %scan3A = arith.constant 0 : i32
    %scan3A_9 = arith.constant 80 : i32
    %scan3A_10 = arith.addi %scan3A, %scan3A_9 : i32
    %scan3A_11 = arith.constant 1 : i32
    scf.for %scan3A_14 = %scan3A to %scan3A_10 step %scan3A_11  : i32 {
      %mul3A_15 = arith.constant 2 : i32
      %mul3A_16 = arith.muli %scan3A_14, %mul3A_15 : i32
      %add3A_17 = arith.constant 0 : i32
      %add3A_18 = arith.addi %add3A_17, %mul3A_16 : i32
      %mul3A_19 = arith.constant 64 : i32
      %mul3A_20 = arith.muli %add3A_18, %mul3A_19 : i32
      %dma_start3A = tpu.memref_slice %arg8[%mul3A_20] : memref<10240xi32, #tpu.memory_space<vmem>> -> memref<64xi32, #tpu.memory_space<vmem>>
      %dma_start3A_21 = arith.constant 0 : i32
      %dma_start3A_22 = arith.constant 0 : i32
      %dma_start3A_23 = tpu.memref_slice %arg2[%dma_start3A_21, %dma_start3A_22] : memref<10240x128xf32, #tpu.memory_space<hbm>> -> memref<10240x128xf32, #tpu.memory_space<hbm>>
      tpu.enqueue_indirect_dma source(%dma_start3A_23 : memref<10240x128xf32, #tpu.memory_space<hbm>>) target(%arg10 : memref<64x128xf32, #tpu.memory_space<vmem>>) offsets(%dma_start3A : memref<64xi32, #tpu.memory_space<vmem>>) semaphore(%arg12 : memref<!tpu.dma_semaphore, #tpu.memory_space<semaphore_mem>>)
      %add3A_24 = arith.constant 1 : i32
      %add3A_25 = arith.addi %add3A_18, %add3A_24 : i32
      %mul3A_26 = arith.constant 64 : i32
      %mul3A_27 = arith.muli %add3A_25, %mul3A_26 : i32
      %dma_start3A_28 = tpu.memref_slice %arg8[%mul3A_27] : memref<10240xi32, #tpu.memory_space<vmem>> -> memref<64xi32, #tpu.memory_space<vmem>>
      %dma_start3A_29 = arith.constant 0 : i32
      %dma_start3A_30 = arith.constant 0 : i32
      %dma_start3A_31 = tpu.memref_slice %arg2[%dma_start3A_29, %dma_start3A_30] : memref<10240x128xf32, #tpu.memory_space<hbm>> -> memref<10240x128xf32, #tpu.memory_space<hbm>>
      tpu.enqueue_indirect_dma source(%dma_start3A_31 : memref<10240x128xf32, #tpu.memory_space<hbm>>) target(%arg11 : memref<64x128xf32, #tpu.memory_space<vmem>>) offsets(%dma_start3A_28 : memref<64xi32, #tpu.memory_space<vmem>>) semaphore(%arg13 : memref<!tpu.dma_semaphore, #tpu.memory_space<semaphore_mem>>)
      %dma_wait3A = tpu.memref_slice %arg8[%mul3A_20] : memref<10240xi32, #tpu.memory_space<vmem>> -> memref<64xi32, #tpu.memory_space<vmem>>
      %dma_wait3A_32 = arith.constant 0 : i32
      %dma_wait3A_33 = arith.constant 0 : i32
      %dma_wait3A_34 = tpu.memref_slice %arg2[%dma_wait3A_32, %dma_wait3A_33] : memref<10240x128xf32, #tpu.memory_space<hbm>> -> memref<10240x128xf32, #tpu.memory_space<hbm>>
      tpu.wait_indirect_dma semaphore(%arg12 : memref<!tpu.dma_semaphore, #tpu.memory_space<semaphore_mem>>) src(%dma_wait3A_34 : memref<10240x128xf32, #tpu.memory_space<hbm>>) dst(%arg10 : memref<64x128xf32, #tpu.memory_space<vmem>>)
      "tpu.region"() ({
        %run_scoped3A = tpu.sem_alloc : memref<!tpu.dma_semaphore, #tpu.memory_space<semaphore_mem>>
        %dma_start3A_41 = arith.constant 0 : i32
        %dma_start3A_42 = tpu.memref_slice %arg9[%add3A_18, %dma_start3A_41] : memref<160x64xi32, #tpu.memory_space<vmem>> -> memref<1x64xi32, #tpu.memory_space<vmem>>
        %dma_start3A_43 = tpu.memref_squeeze %dma_start3A_42 : memref<1x64xi32, #tpu.memory_space<vmem>> -> memref<64xi32, #tpu.memory_space<vmem>>
        %dma_start3A_44 = arith.constant 0 : i32
        %dma_start3A_45 = arith.constant 0 : i32
        %dma_start3A_46 = tpu.memref_slice %arg7[%dma_start3A_44, %dma_start3A_45] : memref<10240x128xf32, #tpu.memory_space<vmem_shared>> -> memref<10240x128xf32, #tpu.memory_space<vmem_shared>>
        tpu.enqueue_indirect_dma source(%arg10 : memref<64x128xf32, #tpu.memory_space<vmem>>) target(%dma_start3A_46 : memref<10240x128xf32, #tpu.memory_space<vmem_shared>>) offsets(%dma_start3A_43 : memref<64xi32, #tpu.memory_space<vmem>>) semaphore(%run_scoped3A : memref<!tpu.dma_semaphore, #tpu.memory_space<semaphore_mem>>) {add = true}
        %dma_wait3A_47 = arith.constant 0 : i32
        %dma_wait3A_48 = tpu.memref_slice %arg9[%add3A_18, %dma_wait3A_47] : memref<160x64xi32, #tpu.memory_space<vmem>> -> memref<1x64xi32, #tpu.memory_space<vmem>>
        %dma_wait3A_49 = tpu.memref_squeeze %dma_wait3A_48 : memref<1x64xi32, #tpu.memory_space<vmem>> -> memref<64xi32, #tpu.memory_space<vmem>>
        %dma_wait3A_50 = arith.constant 0 : i32
        %dma_wait3A_51 = arith.constant 0 : i32
        %dma_wait3A_52 = tpu.memref_slice %arg7[%dma_wait3A_50, %dma_wait3A_51] : memref<10240x128xf32, #tpu.memory_space<vmem_shared>> -> memref<10240x128xf32, #tpu.memory_space<vmem_shared>>
        tpu.wait_indirect_dma semaphore(%run_scoped3A : memref<!tpu.dma_semaphore, #tpu.memory_space<semaphore_mem>>) src(%arg10 : memref<64x128xf32, #tpu.memory_space<vmem>>) dst(%dma_wait3A_52 : memref<10240x128xf32, #tpu.memory_space<vmem_shared>>)
        tpu.yield
      }) : () -> ()
      %dma_wait3A_35 = tpu.memref_slice %arg8[%mul3A_27] : memref<10240xi32, #tpu.memory_space<vmem>> -> memref<64xi32, #tpu.memory_space<vmem>>
      %dma_wait3A_36 = arith.constant 0 : i32
      %dma_wait3A_37 = arith.constant 0 : i32
      %dma_wait3A_38 = tpu.memref_slice %arg2[%dma_wait3A_36, %dma_wait3A_37] : memref<10240x128xf32, #tpu.memory_space<hbm>> -> memref<10240x128xf32, #tpu.memory_space<hbm>>
      tpu.wait_indirect_dma semaphore(%arg13 : memref<!tpu.dma_semaphore, #tpu.memory_space<semaphore_mem>>) src(%dma_wait3A_38 : memref<10240x128xf32, #tpu.memory_space<hbm>>) dst(%arg11 : memref<64x128xf32, #tpu.memory_space<vmem>>)
      %add3A_39 = arith.constant 1 : i32
      %add3A_40 = arith.addi %add3A_18, %add3A_39 : i32
      "tpu.region"() ({
        %run_scoped3A = tpu.sem_alloc : memref<!tpu.dma_semaphore, #tpu.memory_space<semaphore_mem>>
        %dma_start3A_41 = arith.constant 0 : i32
        %dma_start3A_42 = tpu.memref_slice %arg9[%add3A_40, %dma_start3A_41] : memref<160x64xi32, #tpu.memory_space<vmem>> -> memref<1x64xi32, #tpu.memory_space<vmem>>
        %dma_start3A_43 = tpu.memref_squeeze %dma_start3A_42 : memref<1x64xi32, #tpu.memory_space<vmem>> -> memref<64xi32, #tpu.memory_space<vmem>>
        %dma_start3A_44 = arith.constant 0 : i32
        %dma_start3A_45 = arith.constant 0 : i32
        %dma_start3A_46 = tpu.memref_slice %arg7[%dma_start3A_44, %dma_start3A_45] : memref<10240x128xf32, #tpu.memory_space<vmem_shared>> -> memref<10240x128xf32, #tpu.memory_space<vmem_shared>>
        tpu.enqueue_indirect_dma source(%arg11 : memref<64x128xf32, #tpu.memory_space<vmem>>) target(%dma_start3A_46 : memref<10240x128xf32, #tpu.memory_space<vmem_shared>>) offsets(%dma_start3A_43 : memref<64xi32, #tpu.memory_space<vmem>>) semaphore(%run_scoped3A : memref<!tpu.dma_semaphore, #tpu.memory_space<semaphore_mem>>) {add = true}
        %dma_wait3A_47 = arith.constant 0 : i32
        %dma_wait3A_48 = tpu.memref_slice %arg9[%add3A_40, %dma_wait3A_47] : memref<160x64xi32, #tpu.memory_space<vmem>> -> memref<1x64xi32, #tpu.memory_space<vmem>>
        %dma_wait3A_49 = tpu.memref_squeeze %dma_wait3A_48 : memref<1x64xi32, #tpu.memory_space<vmem>> -> memref<64xi32, #tpu.memory_space<vmem>>
        %dma_wait3A_50 = arith.constant 0 : i32
        %dma_wait3A_51 = arith.constant 0 : i32
        %dma_wait3A_52 = tpu.memref_slice %arg7[%dma_wait3A_50, %dma_wait3A_51] : memref<10240x128xf32, #tpu.memory_space<vmem_shared>> -> memref<10240x128xf32, #tpu.memory_space<vmem_shared>>
        tpu.wait_indirect_dma semaphore(%run_scoped3A : memref<!tpu.dma_semaphore, #tpu.memory_space<semaphore_mem>>) src(%arg11 : memref<64x128xf32, #tpu.memory_space<vmem>>) dst(%dma_wait3A_52 : memref<10240x128xf32, #tpu.memory_space<vmem_shared>>)
        tpu.yield
      }) : () -> ()
    }
    %scan3A_12 = arith.constant 80 : i32
    %barrier3A_13 = arith.constant 0 : index
    tpu.barrier barrier_id(%barrier3A_13)
    "tpu.region"() ({
      %run_scoped3A = tpu.sem_alloc : memref<!tpu.dma_semaphore, #tpu.memory_space<semaphore_mem>>
      %dma_start3A = arith.constant 0 : i32
      %dma_start3A_14 = tpu.memref_slice %arg6[%arg0, %mul3A_2, %dma_start3A] : memref<2x10240x128xf32, #tpu.memory_space<hbm>> -> memref<1x640x128xf32, #tpu.memory_space<hbm>>
      %dma_start3A_15 = tpu.memref_squeeze %dma_start3A_14 : memref<1x640x128xf32, #tpu.memory_space<hbm>> -> memref<640x128xf32, #tpu.memory_space<hbm>>
      %dma_start3A_16 = arith.constant 0 : i32
      %dma_start3A_17 = tpu.memref_slice %arg7[%mul3A_2, %dma_start3A_16] : memref<10240x128xf32, #tpu.memory_space<vmem_shared>> -> memref<640x128xf32, #tpu.memory_space<vmem_shared>>
      tpu.enqueue_dma source(%dma_start3A_17 : memref<640x128xf32, #tpu.memory_space<vmem_shared>>) target(%dma_start3A_15 : memref<640x128xf32, #tpu.memory_space<hbm>>) target_semaphore(%run_scoped3A : memref<!tpu.dma_semaphore, #tpu.memory_space<semaphore_mem>>)
      %dma_wait3A = arith.constant 0 : i32
      %dma_wait3A_18 = tpu.memref_slice %arg6[%arg0, %mul3A_2, %dma_wait3A] : memref<2x10240x128xf32, #tpu.memory_space<hbm>> -> memref<1x640x128xf32, #tpu.memory_space<hbm>>
      %dma_wait3A_19 = tpu.memref_squeeze %dma_wait3A_18 : memref<1x640x128xf32, #tpu.memory_space<hbm>> -> memref<640x128xf32, #tpu.memory_space<hbm>>
      %dma_wait3A_20 = arith.constant 0 : i32
      %dma_wait3A_21 = tpu.memref_slice %arg7[%mul3A_2, %dma_wait3A_20] : memref<10240x128xf32, #tpu.memory_space<vmem_shared>> -> memref<640x128xf32, #tpu.memory_space<vmem_shared>>
      tpu.wait_dma2 semaphore(%run_scoped3A : memref<!tpu.dma_semaphore, #tpu.memory_space<semaphore_mem>>) src(%dma_wait3A_21 : memref<640x128xf32, #tpu.memory_space<vmem_shared>>) dst(%dma_wait3A_19 : memref<640x128xf32, #tpu.memory_space<hbm>>)
      tpu.yield
    }) : () -> ()
    return
  }
}

module attributes {stable_mosaic.version = 14 : i64} {
  func.func @_tc1_body(%arg0: i32, %arg1: memref<2x1280x1xf32, #tpu.memory_space<vmem>>, %arg2: memref<1280x128xf32, #tpu.memory_space<vmem>>, %arg3: memref<128x128xf32, #tpu.memory_space<vmem>>, %arg4: memref<1280x1xf32, #tpu.memory_space<vmem>>, %arg5: memref<1280x128xf32, #tpu.memory_space<vmem>>) attributes {dimension_semantics = [#tpu.dimension_semantics<arbitrary>], iteration_bounds = array<i64: 8>, scalar_prefetch = 0 : i64, scratch_operands = 0 : i64, tpu.core_type = #tpu.core_type<tc>, window_params = [{transform_indices = @transform_0, window_bounds = array<i64: 2, 1280, 1>}, {transform_indices = @transform_1, window_bounds = array<i64: 1280, 128>}, {pipeline_mode = #tpu.pipeline_mode<synchronous>, transform_indices = @transform_2, window_bounds = array<i64: 128, 128>}, {transform_indices = @transform_3, window_bounds = array<i64: 1280, 1>}, {transform_indices = @transform_4, window_bounds = array<i64: 1280, 128>}]} {
    %get3A = arith.constant 0 : index
    %get3A_0 = arith.constant 0 : index
    %get3A_1 = arith.constant 0 : index
    %get3A_2 = vector.load %arg1[%get3A, %get3A_0, %get3A_1] : memref<2x1280x1xf32, #tpu.memory_space<vmem>>, vector<1x1280x1xf32>
    %get3A_3 = vector.shape_cast %get3A_2 : vector<1x1280x1xf32> to vector<1280x1xf32>
    %get3A_4 = arith.constant 1 : index
    %get3A_5 = arith.constant 0 : index
    %get3A_6 = arith.constant 0 : index
    %get3A_7 = vector.load %arg1[%get3A_4, %get3A_5, %get3A_6] : memref<2x1280x1xf32, #tpu.memory_space<vmem>>, vector<1x1280x1xf32>
    %get3A_8 = vector.shape_cast %get3A_7 : vector<1x1280x1xf32> to vector<1280x1xf32>
    %add3A = arith.addf %get3A_3, %get3A_8 : vector<1280x1xf32>
    %add3A_9 = arith.constant 1.000000e+00 : f32
    %add3A_10 = vector.broadcast %add3A_9 : f32 to vector<1280x1xf32>
    %add3A_11 = arith.addf %add3A, %add3A_10 : vector<1280x1xf32>
    %rsqrt3A = math.rsqrt %add3A_11 : vector<1280x1xf32>
    %swap3A = arith.constant 0 : index
    %swap3A_12 = arith.constant 0 : index
    %swap3A_13 = vector.load %arg4[%swap3A, %swap3A_12] : memref<1280x1xf32, #tpu.memory_space<vmem>>, vector<1280x1xf32>
    tpu.vector_store %arg4[%swap3A, %swap3A_12], %rsqrt3A {strides = array<i32>} : memref<1280x1xf32, #tpu.memory_space<vmem>>, vector<1280x1xf32>,
    %get3A_14 = arith.constant 0 : index
    %get3A_15 = arith.constant 0 : index
    %get3A_16 = vector.load %arg2[%get3A_14, %get3A_15] : memref<1280x128xf32, #tpu.memory_space<vmem>>, vector<1280x128xf32>
    %get3A_17 = arith.constant 0 : index
    %get3A_18 = arith.constant 0 : index
    %get3A_19 = vector.load %arg3[%get3A_17, %get3A_18] : memref<128x128xf32, #tpu.memory_space<vmem>>, vector<128x128xf32>
    %dot_general3A = arith.constant dense<0.000000e+00> : vector<1280x128xf32>
    %dot_general3A_20 = tpu.matmul %get3A_16, %get3A_19, %dot_general3A {dimension_numbers = #tpu.dot_dimension_numbers<[1], [0], [0], [1], [0, 0, 1, 1], [], []>, transpose_lhs_hint = false} : vector<1280x128xf32>, vector<128x128xf32>, vector<1280x128xf32> -> vector<1280x128xf32>
    %mul3A = vector.broadcast %rsqrt3A : vector<1280x1xf32> to vector<1280x128xf32>
    %mul3A_21 = arith.mulf %dot_general3A_20, %mul3A : vector<1280x128xf32>
    %swap3A_22 = arith.constant 0 : index
    %swap3A_23 = arith.constant 0 : index
    %swap3A_24 = vector.load %arg5[%swap3A_22, %swap3A_23] : memref<1280x128xf32, #tpu.memory_space<vmem>>, vector<1280x128xf32>
    tpu.vector_store %arg5[%swap3A_22, %swap3A_23], %mul3A_21 {strides = array<i32>} : memref<1280x128xf32, #tpu.memory_space<vmem>>, vector<1280x128xf32>,
    return
  }
  func.func @transform_0(%arg0: i32) -> (i32, i32, i32) {
    %c0_i32 = arith.constant 0 : i32
    %c0_i32_0 = arith.constant 0 : i32
    %c0_i32_1 = arith.constant 0 : i32
    return %c0_i32, %arg0, %c0_i32_0 : i32, i32, i32
  }
  func.func @transform_1(%arg0: i32) -> (i32, i32) {
    %c0_i32 = arith.constant 0 : i32
    %c0_i32_0 = arith.constant 0 : i32
    return %arg0, %c0_i32 : i32, i32
  }
  func.func @transform_2(%arg0: i32) -> (i32, i32) {
    %c0_i32 = arith.constant 0 : i32
    %c0_i32_0 = arith.constant 0 : i32
    %c0_i32_1 = arith.constant 0 : i32
    return %c0_i32, %c0_i32_0 : i32, i32
  }
  func.func @transform_3(%arg0: i32) -> (i32, i32) {
    %c0_i32 = arith.constant 0 : i32
    %c0_i32_0 = arith.constant 0 : i32
    return %arg0, %c0_i32 : i32, i32
  }
  func.func @transform_4(%arg0: i32) -> (i32, i32) {
    %c0_i32 = arith.constant 0 : i32
    %c0_i32_0 = arith.constant 0 : i32
    return %arg0, %c0_i32 : i32, i32
  }
}

module attributes {stable_mosaic.version = 14 : i64} {
  func.func @_tcmid_body(%arg0: i32, %arg1: memref<2x1280x128xf32, #tpu.memory_space<vmem>>, %arg2: memref<1280x1xf32, #tpu.memory_space<vmem>>, %arg3: memref<1x128xf32, #tpu.memory_space<vmem>>, %arg4: memref<128x128xf32, #tpu.memory_space<vmem>>, %arg5: memref<1280x128xf32, #tpu.memory_space<vmem>>) attributes {dimension_semantics = [#tpu.dimension_semantics<arbitrary>], iteration_bounds = array<i64: 8>, scalar_prefetch = 0 : i64, scratch_operands = 0 : i64, tpu.core_type = #tpu.core_type<tc>, window_params = [{transform_indices = @transform_0, window_bounds = array<i64: 2, 1280, 128>}, {transform_indices = @transform_1, window_bounds = array<i64: 1280, 1>}, {pipeline_mode = #tpu.pipeline_mode<synchronous>, transform_indices = @transform_2, window_bounds = array<i64: 1, 128>}, {pipeline_mode = #tpu.pipeline_mode<synchronous>, transform_indices = @transform_3, window_bounds = array<i64: 128, 128>}, {transform_indices = @transform_4, window_bounds = array<i64: 1280, 128>}]} {
    %get3A = arith.constant 0 : index
    %get3A_0 = arith.constant 0 : index
    %get3A_1 = vector.load %arg2[%get3A, %get3A_0] : memref<1280x1xf32, #tpu.memory_space<vmem>>, vector<1280x1xf32>
    %get3A_2 = arith.constant 0 : index
    %get3A_3 = arith.constant 0 : index
    %get3A_4 = arith.constant 0 : index
    %get3A_5 = vector.load %arg1[%get3A_2, %get3A_3, %get3A_4] : memref<2x1280x128xf32, #tpu.memory_space<vmem>>, vector<1x1280x128xf32>
    %get3A_6 = vector.shape_cast %get3A_5 : vector<1x1280x128xf32> to vector<1280x128xf32>
    %get3A_7 = arith.constant 1 : index
    %get3A_8 = arith.constant 0 : index
    %get3A_9 = arith.constant 0 : index
    %get3A_10 = vector.load %arg1[%get3A_7, %get3A_8, %get3A_9] : memref<2x1280x128xf32, #tpu.memory_space<vmem>>, vector<1x1280x128xf32>
    %get3A_11 = vector.shape_cast %get3A_10 : vector<1x1280x128xf32> to vector<1280x128xf32>
    %add3A = arith.addf %get3A_6, %get3A_11 : vector<1280x128xf32>
    %mul3A = vector.broadcast %get3A_1 : vector<1280x1xf32> to vector<1280x128xf32>
    %mul3A_12 = arith.mulf %add3A, %mul3A : vector<1280x128xf32>
    %get3A_13 = arith.constant 0 : index
    %get3A_14 = arith.constant 0 : index
    %get3A_15 = vector.load %arg3[%get3A_13, %get3A_14] : memref<1x128xf32, #tpu.memory_space<vmem>>, vector<1x128xf32>
    %add3A_16 = vector.broadcast %get3A_15 : vector<1x128xf32> to vector<1280x128xf32>
    %add3A_17 = arith.addf %mul3A_12, %add3A_16 : vector<1280x128xf32>
    %max3A = arith.constant 0.000000e+00 : f32
    %max3A_18 = vector.broadcast %max3A : f32 to vector<1280x128xf32>
    %max3A_19 = arith.maximumf %add3A_17, %max3A_18 : vector<1280x128xf32>
    %get3A_20 = arith.constant 0 : index
    %get3A_21 = arith.constant 0 : index
    %get3A_22 = vector.load %arg4[%get3A_20, %get3A_21] : memref<128x128xf32, #tpu.memory_space<vmem>>, vector<128x128xf32>
    %dot_general3A = arith.constant dense<0.000000e+00> : vector<1280x128xf32>
    %dot_general3A_23 = tpu.matmul %max3A_19, %get3A_22, %dot_general3A {dimension_numbers = #tpu.dot_dimension_numbers<[1], [0], [0], [1], [0, 0, 1, 1], [], []>, transpose_lhs_hint = false} : vector<1280x128xf32>, vector<128x128xf32>, vector<1280x128xf32> -> vector<1280x128xf32>
    %mul3A_24 = vector.broadcast %get3A_1 : vector<1280x1xf32> to vector<1280x128xf32>
    %mul3A_25 = arith.mulf %dot_general3A_23, %mul3A_24 : vector<1280x128xf32>
    %swap3A = arith.constant 0 : index
    %swap3A_26 = arith.constant 0 : index
    %swap3A_27 = vector.load %arg5[%swap3A, %swap3A_26] : memref<1280x128xf32, #tpu.memory_space<vmem>>, vector<1280x128xf32>
    tpu.vector_store %arg5[%swap3A, %swap3A_26], %mul3A_25 {strides = array<i32>} : memref<1280x128xf32, #tpu.memory_space<vmem>>, vector<1280x128xf32>,
    return
  }
  func.func @transform_0(%arg0: i32) -> (i32, i32, i32) {
    %c0_i32 = arith.constant 0 : i32
    %c0_i32_0 = arith.constant 0 : i32
    %c0_i32_1 = arith.constant 0 : i32
    return %c0_i32, %arg0, %c0_i32_0 : i32, i32, i32
  }
  func.func @transform_1(%arg0: i32) -> (i32, i32) {
    %c0_i32 = arith.constant 0 : i32
    %c0_i32_0 = arith.constant 0 : i32
    return %arg0, %c0_i32 : i32, i32
  }
  func.func @transform_2(%arg0: i32) -> (i32, i32) {
    %c0_i32 = arith.constant 0 : i32
    %c0_i32_0 = arith.constant 0 : i32
    %c0_i32_1 = arith.constant 0 : i32
    return %c0_i32, %c0_i32_0 : i32, i32
  }
  func.func @transform_3(%arg0: i32) -> (i32, i32) {
    %c0_i32 = arith.constant 0 : i32
    %c0_i32_0 = arith.constant 0 : i32
    %c0_i32_1 = arith.constant 0 : i32
    return %c0_i32, %c0_i32_0 : i32, i32
  }
  func.func @transform_4(%arg0: i32) -> (i32, i32) {
    %c0_i32 = arith.constant 0 : i32
    %c0_i32_0 = arith.constant 0 : i32
    return %arg0, %c0_i32 : i32, i32
  }
}

module attributes {stable_mosaic.version = 14 : i64} {
  func.func @_tc4_body(%arg0: i32, %arg1: memref<2x1280x128xf32, #tpu.memory_space<vmem>>, %arg2: memref<1280x1xf32, #tpu.memory_space<vmem>>, %arg3: memref<1x64xf32, #tpu.memory_space<vmem>>, %arg4: memref<1280x64xf32, #tpu.memory_space<vmem>>) attributes {dimension_semantics = [#tpu.dimension_semantics<arbitrary>], iteration_bounds = array<i64: 8>, scalar_prefetch = 0 : i64, scratch_operands = 0 : i64, tpu.core_type = #tpu.core_type<tc>, window_params = [{transform_indices = @transform_0, window_bounds = array<i64: 2, 1280, 128>}, {transform_indices = @transform_1, window_bounds = array<i64: 1280, 1>}, {pipeline_mode = #tpu.pipeline_mode<synchronous>, transform_indices = @transform_2, window_bounds = array<i64: 1, 64>}, {transform_indices = @transform_3, window_bounds = array<i64: 1280, 64>}]} {
    %get3A = arith.constant 0 : index
    %get3A_0 = arith.constant 0 : index
    %get3A_1 = arith.constant 0 : index
    %get3A_2 = vector.load %arg1[%get3A, %get3A_0, %get3A_1] : memref<2x1280x128xf32, #tpu.memory_space<vmem>>, vector<1x1280x128xf32>
    %get3A_3 = vector.shape_cast %get3A_2 : vector<1x1280x128xf32> to vector<1280x128xf32>
    %get3A_4 = arith.constant 1 : index
    %get3A_5 = arith.constant 0 : index
    %get3A_6 = arith.constant 0 : index
    %get3A_7 = vector.load %arg1[%get3A_4, %get3A_5, %get3A_6] : memref<2x1280x128xf32, #tpu.memory_space<vmem>>, vector<1x1280x128xf32>
    %get3A_8 = vector.shape_cast %get3A_7 : vector<1x1280x128xf32> to vector<1280x128xf32>
    %add3A = arith.addf %get3A_3, %get3A_8 : vector<1280x128xf32>
    %get3A_9 = arith.constant 0 : index
    %get3A_10 = arith.constant 0 : index
    %get3A_11 = vector.load %arg2[%get3A_9, %get3A_10] : memref<1280x1xf32, #tpu.memory_space<vmem>>, vector<1280x1xf32>
    %mul3A = vector.broadcast %get3A_11 : vector<1280x1xf32> to vector<1280x128xf32>
    %mul3A_12 = arith.mulf %add3A, %mul3A : vector<1280x128xf32>
    %slice3A = vector.extract_strided_slice %mul3A_12 {offsets = [0, 0], sizes = [1280, 64], strides = [1, 1]} : vector<1280x128xf32> to vector<1280x64xf32>
    %get3A_13 = arith.constant 0 : index
    %get3A_14 = arith.constant 0 : index
    %get3A_15 = vector.load %arg3[%get3A_13, %get3A_14] : memref<1x64xf32, #tpu.memory_space<vmem>>, vector<1x64xf32>
    %add3A_16 = vector.broadcast %get3A_15 : vector<1x64xf32> to vector<1280x64xf32>
    %add3A_17 = arith.addf %slice3A, %add3A_16 : vector<1280x64xf32>
    %reduce_max3A = arith.constant dense<0xFF800000> : vector<1280xf32>
    %reduce_max3A_18 = vector.multi_reduction <maximumf>, %add3A_17, %reduce_max3A [1] : vector<1280x64xf32> to vector<1280xf32>
    %broadcast_in_dim3A = vector.shape_cast %reduce_max3A_18 : vector<1280xf32> to vector<1280x1xf32>
    %sub3A = vector.broadcast %broadcast_in_dim3A : vector<1280x1xf32> to vector<1280x64xf32>
    %sub3A_19 = arith.subf %add3A_17, %sub3A : vector<1280x64xf32>
    %exp3A = math.exp %sub3A_19 : vector<1280x64xf32>
    %reduce_sum3A = arith.constant dense<0.000000e+00> : vector<1280xf32>
    %reduce_sum3A_20 = vector.multi_reduction <add>, %exp3A, %reduce_sum3A [1] : vector<1280x64xf32> to vector<1280xf32>
    %broadcast_in_dim3A_21 = vector.shape_cast %reduce_sum3A_20 : vector<1280xf32> to vector<1280x1xf32>
    %log3A = math.log %broadcast_in_dim3A_21 : vector<1280x1xf32>
    %add3A_22 = arith.addf %log3A, %broadcast_in_dim3A : vector<1280x1xf32>
    %sub3A_23 = vector.broadcast %add3A_22 : vector<1280x1xf32> to vector<1280x64xf32>
    %sub3A_24 = arith.subf %add3A_17, %sub3A_23 : vector<1280x64xf32>
    %swap3A = arith.constant 0 : index
    %swap3A_25 = arith.constant 0 : index
    %swap3A_26 = vector.load %arg4[%swap3A, %swap3A_25] : memref<1280x64xf32, #tpu.memory_space<vmem>>, vector<1280x64xf32>
    tpu.vector_store %arg4[%swap3A, %swap3A_25], %sub3A_24 {strides = array<i32>} : memref<1280x64xf32, #tpu.memory_space<vmem>>, vector<1280x64xf32>,
    return
  }
  func.func @transform_0(%arg0: i32) -> (i32, i32, i32) {
    %c0_i32 = arith.constant 0 : i32
    %c0_i32_0 = arith.constant 0 : i32
    %c0_i32_1 = arith.constant 0 : i32
    return %c0_i32, %arg0, %c0_i32_0 : i32, i32, i32
  }
  func.func @transform_1(%arg0: i32) -> (i32, i32) {
    %c0_i32 = arith.constant 0 : i32
    %c0_i32_0 = arith.constant 0 : i32
    return %arg0, %c0_i32 : i32, i32
  }
  func.func @transform_2(%arg0: i32) -> (i32, i32) {
    %c0_i32 = arith.constant 0 : i32
    %c0_i32_0 = arith.constant 0 : i32
    %c0_i32_1 = arith.constant 0 : i32
    return %c0_i32, %c0_i32_0 : i32, i32
  }
  func.func @transform_3(%arg0: i32) -> (i32, i32) {
    %c0_i32 = arith.constant 0 : i32
    %c0_i32_0 = arith.constant 0 : i32
    return %arg0, %c0_i32 : i32, i32
  }
}

</mosaic_0001>

<sc_bundles>
// kernel: kernel.10.cloned.1.call-start
scs
__scs_entry_jumppad:
0x0: {  	(pc) =	sbr.rel $0x88, $3  }
0x1: {  	(tag) =	ssettag $0x0;
	lr =	simm.s32 $0x1  }
0x2: {  	[smem:$0x3F99] =	sst lr;
	_ =	strace $0xD0000000  }
0x3: {  	_ = 	snop  }
0x4: {  	_ = 	snop  }
0x5: {  	_ = 	snop  }
0x6: {  	_ = 	snop  }
0x7: {  	_ = 	snop  }
__scs_overlays_trampoline_lowered:
0x8: {  	[smem:$0x3FA8] =	sst s0  }
0x9: {  	[smem:$0x3FA9] =	sst s1  }
0xa: {  	[smem:$0x3FAA] =	sst s2  }
0xb: {  	[smem:$0x3FAB] =	sst s3  }
0xc: {  	[smem:$0x3FAC] =	sst s4  }
0xd: {  	[smem:$0x3FAD] =	sst s5  }
0xe: {  	[smem:$0x3FAE] =	sst s6  }
0xf: {  	[smem:$0x3FAF] =	sst s7  }
0x10: {  	[smem:$0x3FB0] =	sst s8  }
0x11: {  	[smem:$0x3FB1] =	sst s9;
	s0 =	simm.s32 @!p0 $0x0  }
0x12: {  	s1 =	sld [smem:$0x3F97];
	s0 =	simm.s32 @p0 $0x1  }
0x13: {  	[smem:$0x3FB2] =	sst s0;
	s0 =	simm.s32 @!p1 $0x0  }
0x14: {  	s2 =	sld [smem:$0x3F96];
	s0 =	simm.s32 @p1 $0x1  }
0x15: {  	[smem:$0x3FB3] =	sst s0;
	s0 =	simm.s32 @!p2 $0x0  }
0x16: {  	s3 =	sld [smem:$0x3FDB];
	s0 =	simm.s32 @p2 $0x1  }
0x17: {  	s4 =	simm.s32 $0x1BF5;
	[smem:$0x3FB5] =	sst s0  }
0x18: {  	s0 =	sld [smem:$0x3F98];
	_ =	swait.ge [sflag:s4], $0x0  }
0x19: {  	s7 =	sld [smem:$0x3F99]  }
0x1a: {  	s8 =	sadd.s32 $0xFFFFE003, lr  }
0x1b: {  	s9 =	sadd.s32 $0xFFFFFEF7, lr;
	s5 =	simm.s32 $0xFFFFFFFF;
	p2 =	slt.u32 s8, $0xFFFFF086  }
0x1c: {  	p1 =	slt.u32 s9, $0xF7A;
	s5 =	simm.s32 @!p2 $0x0  }
0x1d: {  	s5 =	simm.s32 @p1 $0x1;
	p0 =	seq.s32 s7, s2  }
0x1e: {  	s7 =	smul.u32 @!p0 $0xF7A, s2;
	p2 =	seq.s32 @!p0 s5, $0x0  }
0x1f: {  	s9 =	smul.u32 $0xF7A, s1;
	s8 =	simm.s32 @!p0 $0x1BF5;
	p2 =	por !p2, p0  }
0x20: {  	[sflag:s8] =	ssyncset.s32 @!p0 $0xFFFFF086;
	s6 =	sadd.s32 @!p0 s3, s7;
	s7 =	simm.s32 @!p0 $0x108  }
0x21: {  	s3 =	sadd.s32 s3, s9;
	s6 =	sadd.s32 @!p0 $0x88, s6;
	s7 =	simm.s32 @p2 $0x1082  }
0x22: {  	[simem:s7], [sflag:s8] =	dma.local @!p0 [hbm:s6], $0xF7A  }
0x23: {  	s9 =	sor.u32 $0xD0000000, s2;
	s6 =	simm.s32 $0x108;
	_ =	swait.ge @!p0 [sflag:s8], $0x0  }
0x24: {  	s3 =	sadd.s32 $0x88, s3;
	s6 =	simm.s32 @!p1 $0x1082;
	[sflag:s4] =	ssyncset.s32 $0xFFFFF086  }
0x25: {  	[simem:s6], [sflag:s4] =	dma.local [hbm:s3], $0xF7A  }
0x26: {  	[smem:$0x3F99] =	sst s1;
	(tag) =	ssettag s2;
	_ =	strace s9  }
0x27: {  	s1 =	sld [smem:$0x3FA9]  }
0x28: {  	s2 =	sld [smem:$0x3FAA]  }
0x29: {  	s4 =	sld [smem:$0x3FAC]  }
0x2a: {  	p0 =	seq.s32 s5, $0x0;
	s5 =	sld [smem:$0x3FAD]  }
0x2b: {  	s6 =	sld [smem:$0x3FAE]  }
0x2c: {  	s7 =	sld [smem:$0x3FAF]  }
0x2d: {  	s3 =	simm.s32 $0x108;
	s8 =	sld [smem:$0x3FB0]  }
0x2e: {  	s3 =	simm.s32 @!p0 $0x1082;
	s9 =	sld [smem:$0x3FB1]  }
0x2f: {  	lr =	sadd.s32 s0, s3;
	s0 =	sld [smem:$0x3FA8]  }
0x30: {  	s3 =	sld [smem:$0x3FAB]  }
0x31: {  	[smem:$0x3FB4] =	sst s10  }
0x32: {  	s10 =	sld [smem:$0x3FB2];
	_ =	sdelay $0x3  }
0x33: {  	p0 =	seq.s32 s10, $0x1;
	s10 =	sld [smem:$0x3FB4];
	_ =	sdelay $0x3  }
0x34: {  	[smem:$0x3FB4] =	sst s10  }
0x35: {  	s10 =	sld [smem:$0x3FB3];
	_ =	sdelay $0x3  }
0x36: {  	p1 =	seq.s32 s10, $0x1;
	s10 =	sld [smem:$0x3FB4];
	_ =	sdelay $0x3  }
0x37: {  	[smem:$0x3FB4] =	sst s10  }
0x38: {  	s10 =	sld [smem:$0x3FB5]  }
0x39: {  	_ = 	snop;
	(pc) =	sbr.ind lr, $3  }
0x3a: {  	_ = 	snop  }
0x3b: {  	_ = 	snop  }
0x3c: {  	p2 =	seq.s32 s10, $0x1;
	s10 =	sld [smem:$0x3FB4]  }
0x3d: {  	_ =	shalt  }
0x3e: {  	_ =	shalt  }
0x3f: {  	_ =	shalt  }
0x40: {  	_ =	shalt  }
0x41: {  	_ =	shalt  }
0x42: {  	_ =	shalt  }
0x43: {  	_ =	shalt  }
0x44: {  	_ =	shalt  }
0x45: {  	_ =	shalt  }
0x46: {  	_ =	shalt  }
0x47: {  	_ =	shalt  }
0x48: {  	_ =	shalt  }
0x49: {  	_ =	shalt  }
0x4a: {  	_ =	shalt  }
0x4b: {  	_ =	shalt  }
0x4c: {  	_ =	shalt  }
0x4d: {  	_ =	shalt  }
0x4e: {  	_ =	shalt  }
0x4f: {  	_ =	shalt  }
0x50: {  	_ =	shalt  }
0x51: {  	_ =	shalt  }
0x52: {  	_ =	shalt  }
0x53: {  	_ =	shalt  }
0x54: {  	_ =	shalt  }
0x55: {  	_ =	shalt  }
0x56: {  	_ =	shalt  }
0x57: {  	_ =	shalt  }
0x58: {  	_ =	shalt  }
0x59: {  	_ =	shalt  }
0x5a: {  	_ =	shalt  }
0x5b: {  	_ =	shalt  }
0x5c: {  	_ =	shalt  }
0x5d: {  	_ =	shalt  }
0x5e: {  	_ =	shalt  }
0x5f: {  	_ =	shalt  }
0x60: {  	_ =	shalt  }
0x61: {  	_ =	shalt  }
0x62: {  	_ =	shalt  }
0x63: {  	_ =	shalt  }
0x64: {  	_ =	shalt  }
0x65: {  	_ =	shalt  }
0x66: {  	_ =	shalt  }
0x67: {  	_ =	shalt  }
0x68: {  	_ =	shalt  }
0x69: {  	_ =	shalt  }
0x6a: {  	_ =	shalt  }
0x6b: {  	_ =	shalt  }
0x6c: {  	_ =	shalt  }
0x6d: {  	_ =	shalt  }
0x6e: {  	_ =	shalt  }
0x6f: {  	_ =	shalt  }
0x70: {  	_ =	shalt  }
0x71: {  	_ =	shalt  }
0x72: {  	_ =	shalt  }
0x73: {  	_ =	shalt  }
0x74: {  	_ =	shalt  }
0x75: {  	_ =	shalt  }
0x76: {  	_ =	shalt  }
0x77: {  	_ =	shalt  }
0x78: {  	_ =	shalt  }
0x79: {  	_ =	shalt  }
0x7a: {  	_ =	shalt  }
0x7b: {  	_ =	shalt  }
0x7c: {  	_ =	shalt  }
0x7d: {  	_ =	shalt  }
0x7e: {  	_ =	shalt  }
0x7f: {  	_ =	shalt  }
0x80: {  	_ =	shalt  }
0x81: {  	_ =	shalt  }
0x82: {  	_ =	shalt  }
0x83: {  	_ =	shalt  }
0x84: {  	_ =	shalt  }
0x85: {  	_ =	shalt  }
0x86: {  	_ =	shalt  }
0x87: {  	_ =	shalt  }
.Lfunc_end0:
.L_simem_size_0:
called_computation_lowered:
.L_overlay_start_0:
0x88: {  	s2 =	sld [smem:$0x3FD9]  }
0x89: {  	s3 =	sld [smem:$0x3FFE];
	_ =	sdelay $0x1  }
0x8a: {  	s1 =	srdreg.scid  }
0x8b: {  	s0 =	sand.u32 $0x1, s1  }
0x8c: {  	s17 =	sshll.u32 s0, $0xA;
	s2 =	sadd.s32 s3, s2  }
0x8d: {  	s2 =	sadd.s32 s2, s17  }
0x8e: {  	[smem:$0x3FC0] =	sst s2  }
0x8f: {  	_ = 	snop  }
0x90: {  	s2 =	sld [smem:$0x3FD0];
	(tm) =	ssettm $0x1  }
0x91: {  	s18 =	sld [smem:$0x3FFB];
	_ =	sdelay $0x3  }
0x92: {  	_ =	strace s18  }
0x93: {  	s3 =	sld [smem:$0x3FFC];
	_ =	sdelay $0x3  }
0x94: {  	_ =	strace s3  }
0x95: {  	s3 =	sld [smem:$0x3FFD];
	_ =	sdelay $0x3  }
0x96: {  	_ =	strace s3  }
0x97: {  	_ =	strace $0x8FFFFFFF  }
0x98: {  	s19 =	sld [smem:$0x3FDB];
	_ =	sdelay $0x1  }
0x99: {  	s4 =	simm.s32 $_scs_section_size  }
0x9a: {  	s5 =	simm.s32 $_size__tile_overlayer_lowered;
	s6 =	simm.s32 $_tile_overlayer_lowered  }
0x9b: {  	s22 =	simm.s32 $0x1BFF;
	s21 =	sshll.u32 s6, $0x1;
	s3 =	sadd.s32 s4, s19  }
0x9c: {  	s7 =	simm.s32 $0x0;
	s20 =	sshll.u32 s5, $0x1;
	s5 =	sadd.s32 s21, s3  }
0x9d: {  	[timem:s7], [sflag:s22] =	dma.local [hbm:s5], s20  }
0x9e: {  	_ =	swait.ge [sflag:s22], s20  }
0x9f: {  	s4 =	ssub.s32 $0x0, s20;
	[sflag:s22] =	ssyncset.done $0x0  }
0xa0: {  	[sflag:s22] =	ssyncadd.s32 s4;
	_ =	sdelay $0x1  }
0xa1: {  	s23 =	simm.s32 $0x1B8B  }
0xa2: {  	_ =	swait.ge [sflag:s23], $0x1  }
0xa3: {  	[sflag:s23] =	ssyncset.done $0x0  }
0xa4: {  	s25 =	simm.s32 $0x1B8E;
	s24 =	sld [smem:$0x3FFE];
	[sflag:s23] =	ssyncadd.s32 $0xFFFFFFFF  }
0xa5: {  	s26 =	simm.s32 $execute0_lowered;
	[smem:$0x3FD2] =	sst s25  }
0xa6: {  	s5 =	sshll.u32 s26, $0x1;
	_ =	strace $0x80000046;
	[dreg:$0x1] =	wrdreg $0xFFFFFFFF  }
0xa7: {  	s28 =	simm.s32 $_size_execute0_lowered;
	s3 =	sadd.s32 s3, s5;
	[dreg:$0x0] =	wrdreg $0x0  }
0xa8: {  	s5 =	sshll.u32 s28, $0x1;
	[dreg:$0x2] =	wrdreg s3  }
0xa9: {  	[dreg:$0x3] =	wrdreg s5  }
0xaa: {  	[dreg:$0x4] =	wrdreg $0xC0  }
0xab: {  	_ =	task [dreg:s7], $0x5FFFF  }
0xac: {  	[dreg:$0x1] =	wrdreg $0xFFFFFFFF  }
0xad: {  	[dreg:$0x0] =	wrdreg $0x60  }
0xae: {  	[dreg:$0x2] =	wrdreg s24  }
0xaf: {  	[dreg:$0x3] =	wrdreg s2  }
0xb0: {  	[dreg:$0x4] =	wrdreg $0x0  }
0xb1: {  	[dreg:$0x5] =	wrdreg $0x9  }
0xb2: {  	_ =	task.clear_ibuf [dreg:s7], $0x6FFFF;
	_ =	strace $0x90000046  }
0xb3: {  	s29 =	simm.s32 $0x9;
	_ =	strace $0x80000048  }
0xb4: {  	_ =	swait.ge [sflag:s29], $0x1  }
0xb5: {  	[sflag:s29] =	ssyncadd.s32 $0xFFFFFFFF  }
0xb6: {  	_ =	strace $0x90000048  }
0xb7: {  	_ =	sfence  }
0xb8: {  	s30 =	sld [smem:$0x0];
	_ =	sdelay $0x2  }
0xb9: {  	s31 =	sshll.u32 s1, $0xD;
	s1 =	sshrl.u32 s1, $0x2  }
0xba: {  	s3 =	sand.u32 $0x4000, s31;
	s1 =	sadd.s32 s1, s30  }
0xbb: {  	s0 =	sor.u32 s3, s0;
	s1 =	sshll.u32 s1, $0x11  }
0xbc: {  	s0 =	sor.u32 s1, s0  }
0xbd: {  	s0 =	sadd.s32 $0x8F2B, s0  }
0xbe: {  	[sflag:s0] =	ssyncadd.remote.s32 $0x1  }
0xbf: {  	_ =	sfence.sel $0xFFFF  }
0xc0: {  	[dreg:$0x0] =	wrdreg $0xFFFFFFFF;
	(pc) =	sbr.abs _section_cstart, $3  }
0xc1: {  	[dreg:$0x1] =	wrdreg $0xFFFFFFFF  }
0xc2: {  	_ =	task.clear_ibuf [dreg:s7], $0x2FFFF;
	_ =	strace $0x9FFFFFFF  }
0xc3: {  	(tm) =	ssettm $0x7FFFFFFF  }
tec
execute0_lowered:
.L_overlay_start_1:
0x0: {  	(tag) =	ssettag $0x1  }
0x1: {  	s4 =	rddreg [dreg:$0x0]  }
0x2: {  	s6 =	rddreg [dreg:$0x1]  }
0x3: {  	s2 =	rddreg [dreg:$0x2]  }
0x4: {  	s1 =	stileid.u32;
	s0 =	rddreg [dreg:$0x3];
	s3 =	simm.s32 $0x0  }
0x5: {  	s7 =	srdreg.scid;
	s12 =	simm.s32 $0x80;
	s13 =	simm.s32 $0x2A80  }
0x6: {  	s14 =	simm.s32 $0x20;
	s15 =	simm.s32 $0x10;
	s16 =	simm.s32 $0x0  }
0x7: {  	s5 =	smul.u32 $0x280, s1;
	[smem:$0x7FF] =	sst s3;
	s7 =	sand.u32 $0x1, s7  }
0x8: {  	s9 =	smul.u32 $0x500, s1;
	s31 =	sshll.u32 s1, $0x6;
	_ =	strace $0x80000047  }
0x9: {  	s10 =	sshll.u32 s7, $0x7;
	s29 =	ssub.s32 $0x2, s7;
	s7 =	sshll.u32 s7, $0x4  }
0xa: {  	s8 =	sshrl.u32 s5, $0x3;
	s9 =	sor.u32 s10, s9;
	s11 =	sshrl.u32 s29, $0x1  }
0xb: {  	s7 =	sor.u32 s1, s7;
	s30 =	sadd.s32 s5, s2;
	s5 =	sor.u32 $0x1C01, s31  }
0xc: {  	s8 =	sadd.s32 s8, s4;
	s9 =	sshrl.u32 s9, $0x3;
	s10 =	ssub.s32 s29, s11  }
0xd: {  	s7 =	smul.u32 $0x500, s7;
	s11 =	simm.s32 $0x280;
	s9 =	sadd.s32 s9, s4  }
0xe: {  	s4 =	sadd.s32 $0x2600, s8;
	s8 =	smax.u32 s10, $0x1;
	s10 =	simm.s32 $0x1  }
0xf: {  	v0 =	vimm.f32 $1.000000000e+00;
	s6 =	sadd.s32 s6, s7;
	s7 =	sadd.s32 $0x2C00, s9;
	s9 =	sshrl.u32 s30, $0x3  }
.LBB2_1:
0x10: {  	[spmem:s9], [sflag:s5] =	dma.local [hbm:s4], $0x50  }
0x11: {  	_ =	swait.ge [sflag:s10], $0x50  }
0x12: {  	[sflag:s10] =	ssyncset.done $0x0  }
0x13: {  	[sflag:s10] =	ssyncadd.s32 $0xFFFFFFB0  }
0x14: {  	[tilespmem:s11], [sflag:$0x1] =	stream.linear.gather [hbm4b:s6+s3], $0x2800, $0x38;
	[tilespmem:$0x2B00] =	vst v63  }
0x15: {  	_ =	swait.ge [sflag:s10], $0x2800  }
0x16: {  	[sflag:s10] =	ssyncset.done $0x0  }
0x17: {  	[sflag:s10] =	ssyncadd.s32 $0xFFFFD800  }
0x18: {  	[tilespmem:$0x2A80] =	vst v0  }
0x19: {  	[tilespmem:$0x2A90] =	vst v0  }
0x1a: {  	[tilespmem:$0x2AA0] =	vst v0  }
0x1b: {  	[tilespmem:$0x2AB0] =	vst v0  }
0x1c: {  	[tilespmem:$0x2AC0] =	vst v0  }
0x1d: {  	[tilespmem:$0x2AD0] =	vst v0  }
0x1e: {  	[tilespmem:$0x2AE0] =	vst v0  }
0x1f: {  	[tilespmem:$0x2AF0] =	vst v0  }
0x20: {  	s17 =	simm.s32 $0x280;
	[bflag:$0x0] =	sbarrier.arrive $0xFFFF  }
0x21: {  	[spmem:s2] =	stream.indirect.scatter.add.f32 [tilespmem:s13], [sflag:$0x1], $0x1, s17, s12, $0xb8;
	[tilespmem:$0x2B00] =	vst v63  }
0x22: {  	s17 =	simm.s32 $0x200;
	_ =	swait.ge [sflag:s10], $0x80  }
.LBB2_2:
0x23: {  	s18 =	sshra.s32 s17, $0x2;
	[sflag:s10] =	ssyncset.done $0x0;
	p0 =	sne.s32 s17, $0x9E00  }
.Ltmp0:
0x24: {  	s18 =	sadd.s32 $0x280, s18;
	[sflag:s10] =	ssyncadd.s32 $0xFFFFFF80;
	(pc) =	sbr.rel @p0 .LBB2_2-.Ltmp0, $3  }
0x25: {  	[spmem:s2] =	stream.indirect.scatter.add.f32 [tilespmem:s13], [sflag:$0x1], $0x1, s18, s12, $0xb8;
	[tilespmem:$0x2B00] =	vst v63  }
0x26: {  	s17 =	sadd.s32 $0x200, s17;
	_ =	sdelay $0x1  }
0x27: {  	_ =	swait.ge [sflag:s10], $0x80  }
0x28: {  	[sflag:s10] =	ssyncset.done $0x0;
	s16 =	sadd.s32 $0x1, s16  }
0x29: {  	[sflag:s10] =	ssyncadd.s32 $0xFFFFFF80;
	p0 =	sne.s32 s16, s8  }
.Ltmp1:
0x2a: {  	[bflag:$0x0] =	sbarrier.arrive $0xFFFF;
	(pc) =	sbr.rel @p0 .LBB2_1-.Ltmp1, $4  }
0x2b: {  	[hbm:s7@s14], [sflag:s5] =	dma.strided [spmem:s9@s15], $0x50, s10, $0x10   }
0x2c: {  	_ =	swait.ge [sflag:s10], $0x50  }
0x2d: {  	[sflag:s10] =	ssyncset.done $0x0  }
0x2e: {  	[sflag:s10] =	ssyncadd.s32 $0xFFFFFFB0  }
0x2f: {  	_ =	sfence.sel $0x180000  }
0x30: {  	[bflag:$0x0] =	sbarrier.arrive $0xFFFF  }
0x31: {  	p0 =	sne.s32 s1, $0x0;
	_ =	strace $0x90000047  }
0x32: {  	s0 =	sadd.s32 @!p0 $0x100000, s0;
	[bflag:$0x2] =	sbarrier.arrive $0xFFFF  }
0x33: {  	[sflag:s0] =	ssyncadd.tile.s32 @!p0 $0x1;
	_ =	shalt  }
.Lfunc_end2:
_tile_overlayer_lowered:
.L_overlay_start_2:
0x34: {  	(tag) =	ssettag $0x2  }
0x35: {  	s0 =	rddreg [dreg:$0x0];
	s2 =	stileid.u32  }
0x36: {  	s1 =	rddreg [dreg:$0x1];
	p0 =	sne.s32 s2, $0x0  }
0x37: {  	s3 =	rddreg [dreg:$0x2];
	[bflag:$0x3] =	sbarrier.arrive $0xFFFF;
	s2 =	simm.s32 @!p0 $0x1C01  }
0x38: {  	[timem:s3], [sflag:s2] =	dma.local @!p0 [hbm:s0], s1  }
0x39: {  	s0 =	simm.s32 @!p0 $0x1  }
0x3a: {  	_ =	swait.ge @!p0 [sflag:s0], s1  }
0x3b: {  	s1 =	ssub.s32 @!p0 $0x0, s1;
	[sflag:s0] =	ssyncset.done @!p0 $0x0  }
0x3c: {  	[sflag:s0] =	ssyncadd.s32 @!p0 s1  }
0x3d: {  	[bflag:$0x3] =	sbarrier.arrive $0xFFFF  }
0x3e: {  	_ =	shalt  }

// kernel: kernel.13.cloned.1.call-start
scs
__scs_entry_jumppad:
0x0: {  	(pc) =	sbr.rel $0x88, $3  }
0x1: {  	(tag) =	ssettag $0x0;
	lr =	simm.s32 $0x1  }
0x2: {  	[smem:$0x3F99] =	sst lr;
	_ =	strace $0xD0000000  }
0x3: {  	_ = 	snop  }
0x4: {  	_ = 	snop  }
0x5: {  	_ = 	snop  }
0x6: {  	_ = 	snop  }
0x7: {  	_ = 	snop  }
__scs_overlays_trampoline_lowered:
0x8: {  	[smem:$0x3FA8] =	sst s0  }
0x9: {  	[smem:$0x3FA9] =	sst s1  }
0xa: {  	[smem:$0x3FAA] =	sst s2  }
0xb: {  	[smem:$0x3FAB] =	sst s3  }
0xc: {  	[smem:$0x3FAC] =	sst s4  }
0xd: {  	[smem:$0x3FAD] =	sst s5  }
0xe: {  	[smem:$0x3FAE] =	sst s6  }
0xf: {  	[smem:$0x3FAF] =	sst s7  }
0x10: {  	[smem:$0x3FB0] =	sst s8  }
0x11: {  	[smem:$0x3FB1] =	sst s9;
	s0 =	simm.s32 @!p0 $0x0  }
0x12: {  	s1 =	sld [smem:$0x3F97];
	s0 =	simm.s32 @p0 $0x1  }
0x13: {  	[smem:$0x3FB2] =	sst s0;
	s0 =	simm.s32 @!p1 $0x0  }
0x14: {  	s2 =	sld [smem:$0x3F96];
	s0 =	simm.s32 @p1 $0x1  }
0x15: {  	[smem:$0x3FB3] =	sst s0;
	s0 =	simm.s32 @!p2 $0x0  }
0x16: {  	s3 =	sld [smem:$0x3FDB];
	s0 =	simm.s32 @p2 $0x1  }
0x17: {  	s4 =	simm.s32 $0x1BF5;
	[smem:$0x3FB5] =	sst s0  }
0x18: {  	s0 =	sld [smem:$0x3F98];
	_ =	swait.ge [sflag:s4], $0x0  }
0x19: {  	s7 =	sld [smem:$0x3F99]  }
0x1a: {  	s8 =	sadd.s32 $0xFFFFE003, lr  }
0x1b: {  	s9 =	sadd.s32 $0xFFFFFEF7, lr;
	s5 =	simm.s32 $0xFFFFFFFF;
	p2 =	slt.u32 s8, $0xFFFFF086  }
0x1c: {  	p1 =	slt.u32 s9, $0xF7A;
	s5 =	simm.s32 @!p2 $0x0  }
0x1d: {  	s5 =	simm.s32 @p1 $0x1;
	p0 =	seq.s32 s7, s2  }
0x1e: {  	s7 =	smul.u32 @!p0 $0xF7A, s2;
	p2 =	seq.s32 @!p0 s5, $0x0  }
0x1f: {  	s9 =	smul.u32 $0xF7A, s1;
	s8 =	simm.s32 @!p0 $0x1BF5;
	p2 =	por !p2, p0  }
0x20: {  	[sflag:s8] =	ssyncset.s32 @!p0 $0xFFFFF086;
	s6 =	sadd.s32 @!p0 s3, s7;
	s7 =	simm.s32 @!p0 $0x108  }
0x21: {  	s3 =	sadd.s32 s3, s9;
	s6 =	sadd.s32 @!p0 $0x88, s6;
	s7 =	simm.s32 @p2 $0x1082  }
0x22: {  	[simem:s7], [sflag:s8] =	dma.local @!p0 [hbm:s6], $0xF7A  }
0x23: {  	s9 =	sor.u32 $0xD0000000, s2;
	s6 =	simm.s32 $0x108;
	_ =	swait.ge @!p0 [sflag:s8], $0x0  }
0x24: {  	s3 =	sadd.s32 $0x88, s3;
	s6 =	simm.s32 @!p1 $0x1082;
	[sflag:s4] =	ssyncset.s32 $0xFFFFF086  }
0x25: {  	[simem:s6], [sflag:s4] =	dma.local [hbm:s3], $0xF7A  }
0x26: {  	[smem:$0x3F99] =	sst s1;
	(tag) =	ssettag s2;
	_ =	strace s9  }
0x27: {  	s1 =	sld [smem:$0x3FA9]  }
0x28: {  	s2 =	sld [smem:$0x3FAA]  }
0x29: {  	s4 =	sld [smem:$0x3FAC]  }
0x2a: {  	p0 =	seq.s32 s5, $0x0;
	s5 =	sld [smem:$0x3FAD]  }
0x2b: {  	s6 =	sld [smem:$0x3FAE]  }
0x2c: {  	s7 =	sld [smem:$0x3FAF]  }
0x2d: {  	s3 =	simm.s32 $0x108;
	s8 =	sld [smem:$0x3FB0]  }
0x2e: {  	s3 =	simm.s32 @!p0 $0x1082;
	s9 =	sld [smem:$0x3FB1]  }
0x2f: {  	lr =	sadd.s32 s0, s3;
	s0 =	sld [smem:$0x3FA8]  }
0x30: {  	s3 =	sld [smem:$0x3FAB]  }
0x31: {  	[smem:$0x3FB4] =	sst s10  }
0x32: {  	s10 =	sld [smem:$0x3FB2];
	_ =	sdelay $0x3  }
0x33: {  	p0 =	seq.s32 s10, $0x1;
	s10 =	sld [smem:$0x3FB4];
	_ =	sdelay $0x3  }
0x34: {  	[smem:$0x3FB4] =	sst s10  }
0x35: {  	s10 =	sld [smem:$0x3FB3];
	_ =	sdelay $0x3  }
0x36: {  	p1 =	seq.s32 s10, $0x1;
	s10 =	sld [smem:$0x3FB4];
	_ =	sdelay $0x3  }
0x37: {  	[smem:$0x3FB4] =	sst s10  }
0x38: {  	s10 =	sld [smem:$0x3FB5]  }
0x39: {  	_ = 	snop;
	(pc) =	sbr.ind lr, $3  }
0x3a: {  	_ = 	snop  }
0x3b: {  	_ = 	snop  }
0x3c: {  	p2 =	seq.s32 s10, $0x1;
	s10 =	sld [smem:$0x3FB4]  }
0x3d: {  	_ =	shalt  }
0x3e: {  	_ =	shalt  }
0x3f: {  	_ =	shalt  }
0x40: {  	_ =	shalt  }
0x41: {  	_ =	shalt  }
0x42: {  	_ =	shalt  }
0x43: {  	_ =	shalt  }
0x44: {  	_ =	shalt  }
0x45: {  	_ =	shalt  }
0x46: {  	_ =	shalt  }
0x47: {  	_ =	shalt  }
0x48: {  	_ =	shalt  }
0x49: {  	_ =	shalt  }
0x4a: {  	_ =	shalt  }
0x4b: {  	_ =	shalt  }
0x4c: {  	_ =	shalt  }
0x4d: {  	_ =	shalt  }
0x4e: {  	_ =	shalt  }
0x4f: {  	_ =	shalt  }
0x50: {  	_ =	shalt  }
0x51: {  	_ =	shalt  }
0x52: {  	_ =	shalt  }
0x53: {  	_ =	shalt  }
0x54: {  	_ =	shalt  }
0x55: {  	_ =	shalt  }
0x56: {  	_ =	shalt  }
0x57: {  	_ =	shalt  }
0x58: {  	_ =	shalt  }
0x59: {  	_ =	shalt  }
0x5a: {  	_ =	shalt  }
0x5b: {  	_ =	shalt  }
0x5c: {  	_ =	shalt  }
0x5d: {  	_ =	shalt  }
0x5e: {  	_ =	shalt  }
0x5f: {  	_ =	shalt  }
0x60: {  	_ =	shalt  }
0x61: {  	_ =	shalt  }
0x62: {  	_ =	shalt  }
0x63: {  	_ =	shalt  }
0x64: {  	_ =	shalt  }
0x65: {  	_ =	shalt  }
0x66: {  	_ =	shalt  }
0x67: {  	_ =	shalt  }
0x68: {  	_ =	shalt  }
0x69: {  	_ =	shalt  }
0x6a: {  	_ =	shalt  }
0x6b: {  	_ =	shalt  }
0x6c: {  	_ =	shalt  }
0x6d: {  	_ =	shalt  }
0x6e: {  	_ =	shalt  }
0x6f: {  	_ =	shalt  }
0x70: {  	_ =	shalt  }
0x71: {  	_ =	shalt  }
0x72: {  	_ =	shalt  }
0x73: {  	_ =	shalt  }
0x74: {  	_ =	shalt  }
0x75: {  	_ =	shalt  }
0x76: {  	_ =	shalt  }
0x77: {  	_ =	shalt  }
0x78: {  	_ =	shalt  }
0x79: {  	_ =	shalt  }
0x7a: {  	_ =	shalt  }
0x7b: {  	_ =	shalt  }
0x7c: {  	_ =	shalt  }
0x7d: {  	_ =	shalt  }
0x7e: {  	_ =	shalt  }
0x7f: {  	_ =	shalt  }
0x80: {  	_ =	shalt  }
0x81: {  	_ =	shalt  }
0x82: {  	_ =	shalt  }
0x83: {  	_ =	shalt  }
0x84: {  	_ =	shalt  }
0x85: {  	_ =	shalt  }
0x86: {  	_ =	shalt  }
0x87: {  	_ =	shalt  }
.Lfunc_end0:
.L_simem_size_0:
called_computation.1_lowered:
.L_overlay_start_0:
0x88: {  	s2 =	sld [smem:$0x3FD9]  }
0x89: {  	s3 =	sld [smem:$0x3FFE];
	_ =	sdelay $0x1  }
0x8a: {  	s1 =	srdreg.scid  }
0x8b: {  	s0 =	sand.u32 $0x1, s1  }
0x8c: {  	s16 =	sshll.u32 s0, $0xA;
	s2 =	sadd.s32 s3, s2  }
0x8d: {  	s2 =	sadd.s32 s2, s16  }
0x8e: {  	[smem:$0x3FC0] =	sst s2  }
0x8f: {  	_ = 	snop  }
0x90: {  	(tm) =	ssettm $0x1  }
0x91: {  	s17 =	sld [smem:$0x3FFB];
	_ =	sdelay $0x3  }
0x92: {  	_ =	strace s17  }
0x93: {  	s2 =	sld [smem:$0x3FFC];
	_ =	sdelay $0x3  }
0x94: {  	_ =	strace s2  }
0x95: {  	s2 =	sld [smem:$0x3FFD];
	_ =	sdelay $0x3  }
0x96: {  	_ =	strace s2  }
0x97: {  	_ =	strace $0x8FFFFFFF  }
0x98: {  	s18 =	sld [smem:$0x3FDB];
	_ =	sdelay $0x1  }
0x99: {  	s19 =	simm.s32 $_scs_section_size  }
0x9a: {  	s4 =	simm.s32 $_size__tile_overlayer_lowered;
	s5 =	simm.s32 $_tile_overlayer_lowered  }
0x9b: {  	s22 =	simm.s32 $0x1BFF;
	s21 =	sshll.u32 s5, $0x1;
	s2 =	sadd.s32 s19, s18  }
0x9c: {  	s6 =	simm.s32 $0x0;
	s20 =	sshll.u32 s4, $0x1;
	s4 =	sadd.s32 s21, s2  }
0x9d: {  	[timem:s6], [sflag:s22] =	dma.local [hbm:s4], s20  }
0x9e: {  	_ =	swait.ge [sflag:s22], s20  }
0x9f: {  	s3 =	ssub.s32 $0x0, s20;
	[sflag:s22] =	ssyncset.done $0x0  }
0xa0: {  	[sflag:s22] =	ssyncadd.s32 s3;
	_ =	sdelay $0x1  }
0xa1: {  	s23 =	simm.s32 $0x1B8B  }
0xa2: {  	_ =	swait.ge [sflag:s23], $0x1  }
0xa3: {  	[sflag:s23] =	ssyncset.done $0x0  }
0xa4: {  	s25 =	simm.s32 $0x1B8E;
	s24 =	sld [smem:$0x3FFE];
	[sflag:s23] =	ssyncadd.s32 $0xFFFFFFFF  }
0xa5: {  	s26 =	simm.s32 $execute0_lowered;
	[smem:$0x3FD2] =	sst s25  }
0xa6: {  	s4 =	sshll.u32 s26, $0x1;
	_ =	strace $0x80000049;
	[dreg:$0x1] =	wrdreg $0xFFFFFFFF  }
0xa7: {  	s28 =	simm.s32 $_size_execute0_lowered;
	s2 =	sadd.s32 s2, s4;
	[dreg:$0x0] =	wrdreg $0x0  }
0xa8: {  	s4 =	sshll.u32 s28, $0x1;
	[dreg:$0x2] =	wrdreg s2  }
0xa9: {  	[dreg:$0x3] =	wrdreg s4  }
0xaa: {  	[dreg:$0x4] =	wrdreg $0xC0  }
0xab: {  	_ =	task [dreg:s6], $0x5FFFF  }
0xac: {  	[dreg:$0x1] =	wrdreg $0xFFFFFFFF  }
0xad: {  	[dreg:$0x0] =	wrdreg $0x60  }
0xae: {  	[dreg:$0x2] =	wrdreg s24  }
0xaf: {  	[dreg:$0x3] =	wrdreg $0x0  }
0xb0: {  	[dreg:$0x4] =	wrdreg $0x9  }
0xb1: {  	_ =	task.clear_ibuf [dreg:s6], $0x5FFFF;
	_ =	strace $0x90000049  }
0xb2: {  	s29 =	simm.s32 $0x9;
	_ =	strace $0x8000004B  }
0xb3: {  	_ =	swait.ge [sflag:s29], $0x1  }
0xb4: {  	[sflag:s29] =	ssyncadd.s32 $0xFFFFFFFF  }
0xb5: {  	_ =	strace $0x9000004B  }
0xb6: {  	_ =	sfence  }
0xb7: {  	s30 =	sld [smem:$0x0];
	_ =	sdelay $0x2  }
0xb8: {  	s31 =	sshll.u32 s1, $0xD;
	s1 =	sshrl.u32 s1, $0x2  }
0xb9: {  	s3 =	sand.u32 $0x4000, s31;
	s1 =	sadd.s32 s1, s30  }
0xba: {  	s0 =	sor.u32 s3, s0;
	s1 =	sshll.u32 s1, $0x11  }
0xbb: {  	s0 =	sor.u32 s1, s0  }
0xbc: {  	s0 =	sadd.s32 $0x8F2B, s0  }
0xbd: {  	[sflag:s0] =	ssyncadd.remote.s32 $0x1  }
0xbe: {  	_ =	sfence.sel $0xFFFF  }
0xbf: {  	[dreg:$0x0] =	wrdreg $0xFFFFFFFF;
	(pc) =	sbr.abs _section_cstart, $3  }
0xc0: {  	[dreg:$0x1] =	wrdreg $0xFFFFFFFF  }
0xc1: {  	_ =	task.clear_ibuf [dreg:s6], $0x2FFFF;
	_ =	strace $0x9FFFFFFF  }
0xc2: {  	(tm) =	ssettm $0x7FFFFFFF  }
0xc3: {  	_ =	shalt  }
tec
execute0_lowered:
.L_overlay_start_1:
0x0: {  	(tag) =	ssettag $0x1  }
0x1: {  	s6 =	rddreg [dreg:$0x0]  }
0x2: {  	s0 =	srdreg.scid;
	s2 =	rddreg [dreg:$0x1]  }
0x3: {  	s3 =	simm.s32 $0x0;
	s14 =	simm.s32 $0x400;
	s15 =	simm.s32 $0x14000  }
0x4: {  	s16 =	simm.s32 $0x40;
	s17 =	simm.s32 $0x1B800;
	s18 =	simm.s32 $0x1D800  }
0x5: {  	s19 =	simm.s32 $0x1;
	s20 =	simm.s32 $0x2;
	s5 =	sand.u32 $0x1, s0  }
0x6: {  	s21 =	simm.s32 $0x0;
	s0 =	stileid.u32;
	s9 =	smul.u32 $0x140000, s5  }
0x7: {  	[smem:$0x7FF] =	sst s3;
	s11 =	sadd.s32 $0x49600, s6;
	s10 =	smul.u32 $0x14000, s0  }
0x8: {  	s1 =	sshll.u32 s5, $0x4;
	s8 =	sshll.u32 s0, $0x7;
	s12 =	smul.u32 $0x50000, s0  }
0x9: {  	s28 =	ssub.s32 $0x2, s5;
	p0 =	seq.s32 s5, $0x0;
	s13 =	smul.u32 $0x2800, s0  }
0xa: {  	s31 =	sshll.u32 s0, $0x6;
	s7 =	sor.u32 s0, s1;
	s1 =	rddreg [dreg:$0x2]  }
0xb: {  	s8 =	sand.u32 $0x380, s8;
	s4 =	sshrl.u32 s7, $0x3;
	s7 =	smul.u32 $0xA00, s7  }
0xc: {  	_ =	strace $0x8000004A;
	s29 =	sshrl.u32 s28, $0x1;
	s4 =	smul.u32 $0x14000, s4  }
0xd: {  	s9 =	sadd.s32 s10, s9;
	s10 =	ssub.s32 s28, s29;
	s30 =	sshrl.u32 s12, $0x2  }
0xe: {  	s9 =	sshrl.u32 s9, $0x3;
	s12 =	sadd.s32 s30, s2;
	s8 =	sor.u32 s8, s4  }
0xf: {  	s7 =	sadd.s32 s7, s6;
	s4 =	sadd.s32 $0x21600, s6;
	s8 =	sshrl.u32 s8, $0x3  }
0x10: {  	s9 =	sadd.s32 s9, s6;
	s11 =	smov.u32 @p0 s4;
	s8 =	sadd.s32 s8, s6  }
0x11: {  	s6 =	sadd.s32 $0x3600, s7;
	s7 =	sadd.s32 $0x71600, s9;
	s9 =	sadd.s32 s11, s13  }
0x12: {  	s11 =	sshrl.u32 s12, $0x3;
	s12 =	simm.s32 $0x3;
	s13 =	simm.s32 $0x80  }
0x13: {  	s5 =	sadd.s32 $0x17600, s8;
	s8 =	smax.u32 s10, $0x1;
	s10 =	sor.u32 $0x1C03, s31  }
.LBB2_1:
0x14: {  	[spmem:s11], [sflag:s10] =	dma.local [hbm:s9], $0x2800  }
0x15: {  	_ =	swait.ge [sflag:s12], $0x2800  }
0x16: {  	[sflag:s12] =	ssyncset.done $0x0  }
0x17: {  	[sflag:s12] =	ssyncadd.s32 $0xFFFFD800  }
0x18: {  	[tilespmem:s15], [sflag:$0x3] =	stream.strided.gather [hbm4b:s5+s13], $0x2800, s14, s13, $0x38;
	[tilespmem:$0x1F800] =	vst v63  }
0x19: {  	_ =	swait.ge [sflag:s12], $0x2800  }
0x1a: {  	[sflag:s12] =	ssyncset.done $0x0  }
0x1b: {  	s22 =	simm.s32 $0x16800;
	[sflag:s12] =	ssyncadd.s32 $0xFFFFD800  }
0x1c: {  	[tilespmem:s22], [sflag:$0x3] =	stream.linear.gather [hbm4b:s6+s3], $0x5000, $0x38;
	[tilespmem:$0x1F800] =	vst v63  }
0x1d: {  	_ =	swait.ge [sflag:s12], $0x5000  }
0x1e: {  	[sflag:s12] =	ssyncset.done $0x0  }
0x1f: {  	[sflag:s12] =	ssyncadd.s32 $0xFFFFB000  }
0x20: {  	s23 =	simm.s32 $0x14000;
	[bflag:$0x0] =	sbarrier.arrive $0xFFFF  }
0x21: {  	[tilespmem:s17], [sflag:$0x1] =	stream.indirect.gather [hbm4b:s4+s16], $0x80, s23, s16, $0xb8;
	[tilespmem:$0x1F800] =	vst v63  }
0x22: {  	s30 =	simm.s32 $0x14040  }
0x23: {  	[tilespmem:s18], [sflag:$0x2] =	stream.indirect.gather [hbm4b:s4+s16], $0x80, s30, s16, $0xb8;
	[tilespmem:$0x1F800] =	vst v63  }
0x24: {  	_ =	swait.ge [sflag:s19], $0x2000  }
0x25: {  	[sflag:s19] =	ssyncset.done $0x0  }
0x26: {  	[sflag:s19] =	ssyncadd.s32 $0xFFFFE000  }
0x27: {  	[spmem:s2] =	stream.indirect.scatter.add.f32 [tilespmem:s17], [sflag:$0x3], $0x80, s22, s16, $0xb8;
	[tilespmem:$0x1F800] =	vst v63  }
0x28: {  	_ =	swait.ge [sflag:s12], $0x2000  }
0x29: {  	[sflag:s12] =	ssyncset.done $0x0  }
0x2a: {  	[sflag:s12] =	ssyncadd.s32 $0xFFFFE000  }
0x2b: {  	_ =	swait.ge [sflag:s20], $0x2000  }
0x2c: {  	[sflag:s20] =	ssyncset.done $0x0  }
0x2d: {  	s31 =	simm.s32 $0x16880;
	[sflag:s20] =	ssyncadd.s32 $0xFFFFE000  }
0x2e: {  	[spmem:s2] =	stream.indirect.scatter.add.f32 [tilespmem:s18], [sflag:$0x3], $0x80, s31, s16, $0xb8;
	[tilespmem:$0x1F800] =	vst v63  }
0x2f: {  	s24 =	simm.s32 $0x400;
	_ =	swait.ge [sflag:s12], $0x2000  }
0x30: {  	s23 =	simm.s32 $0x80;
	s22 =	simm.s32 $0x16900;
	[sflag:s12] =	ssyncset.done $0x0  }
.LBB2_2:
0x31: {  	s25 =	sadd.s32 $0x14000, s23  }
0x32: {  	[sflag:s12] =	ssyncadd.s32 $0xFFFFE000;
	s26 =	smov.u32 s24;
	s28 =	sadd.s32 $0x200, s24  }
0x33: {  	[tilespmem:s17], [sflag:$0x1] =	stream.indirect.gather [hbm4b:s4+s16], $0x80, s25, s16, $0xb8;
	[tilespmem:$0x1F800] =	vst v63  }
0x34: {  	p0 =	sne.s32 s24, $0x9E00;
	s23 =	sadd.s32 $0x14040, s23  }
0x35: {  	[tilespmem:s18], [sflag:$0x2] =	stream.indirect.gather [hbm4b:s4+s16], $0x80, s23, s16, $0xb8;
	[tilespmem:$0x1F800] =	vst v63  }
0x36: {  	_ =	swait.ge [sflag:s19], $0x2000  }
0x37: {  	[sflag:s19] =	ssyncset.done $0x0  }
0x38: {  	[sflag:s19] =	ssyncadd.s32 $0xFFFFE000  }
0x39: {  	[spmem:s2] =	stream.indirect.scatter.add.f32 [tilespmem:s17], [sflag:$0x3], $0x80, s22, s16, $0xb8;
	[tilespmem:$0x1F800] =	vst v63  }
0x3a: {  	_ =	swait.ge [sflag:s12], $0x2000  }
0x3b: {  	[sflag:s12] =	ssyncset.done $0x0  }
0x3c: {  	[sflag:s12] =	ssyncadd.s32 $0xFFFFE000  }
0x3d: {  	_ =	swait.ge [sflag:s20], $0x2000  }
.Ltmp0:
0x3e: {  	[sflag:s20] =	ssyncset.done $0x0;
	(pc) =	sbr.rel @p0 .LBB2_2-.Ltmp0, $4  }
0x3f: {  	s23 =	sadd.s32 $0x80, s22;
	[sflag:s20] =	ssyncadd.s32 $0xFFFFE000  }
0x40: {  	[spmem:s2] =	stream.indirect.scatter.add.f32 [tilespmem:s18], [sflag:$0x3], $0x80, s23, s16, $0xb8;
	[tilespmem:$0x1F800] =	vst v63  }
0x41: {  	s24 =	smov.u32 s28;
	_ =	swait.ge [sflag:s12], $0x2000  }
0x42: {  	s22 =	sadd.s32 $0x100, s22;
	s23 =	sshra.s32 s26, $0x2;
	[sflag:s12] =	ssyncset.done $0x0  }
0x43: {  	s24 =	sadd.s32 $0x14000, s23;
	[sflag:s12] =	ssyncadd.s32 $0xFFFFE000  }
0x44: {  	[tilespmem:s17], [sflag:$0x1] =	stream.indirect.gather [hbm4b:s4+s16], $0x80, s24, s16, $0xb8;
	[tilespmem:$0x1F800] =	vst v63  }
0x45: {  	s30 =	sadd.s32 $0x14040, s23  }
0x46: {  	[tilespmem:s18], [sflag:$0x2] =	stream.indirect.gather [hbm4b:s4+s16], $0x80, s30, s16, $0xb8;
	[tilespmem:$0x1F800] =	vst v63  }
0x47: {  	_ =	swait.ge [sflag:s19], $0x2000  }
0x48: {  	[sflag:s19] =	ssyncset.done $0x0  }
0x49: {  	[sflag:s19] =	ssyncadd.s32 $0xFFFFE000  }
0x4a: {  	[spmem:s2] =	stream.indirect.scatter.add.f32 [tilespmem:s17], [sflag:$0x3], $0x80, s22, s16, $0xb8;
	[tilespmem:$0x1F800] =	vst v63  }
0x4b: {  	_ =	swait.ge [sflag:s12], $0x2000  }
0x4c: {  	[sflag:s12] =	ssyncset.done $0x0  }
0x4d: {  	[sflag:s12] =	ssyncadd.s32 $0xFFFFE000  }
0x4e: {  	_ =	swait.ge [sflag:s20], $0x2000  }
0x4f: {  	[sflag:s20] =	ssyncset.done $0x0  }
0x50: {  	s31 =	sadd.s32 $0x80, s22;
	[sflag:s20] =	ssyncadd.s32 $0xFFFFE000  }
0x51: {  	[spmem:s2] =	stream.indirect.scatter.add.f32 [tilespmem:s18], [sflag:$0x3], $0x80, s31, s16, $0xb8;
	[tilespmem:$0x1F800] =	vst v63  }
0x52: {  	_ =	swait.ge [sflag:s12], $0x2000  }
0x53: {  	s21 =	sadd.s32 $0x1, s21;
	[sflag:s12] =	ssyncset.done $0x0  }
0x54: {  	p0 =	sne.s32 s21, s8;
	[sflag:s12] =	ssyncadd.s32 $0xFFFFE000  }
.Ltmp1:
0x55: {  	[bflag:$0x0] =	sbarrier.arrive $0xFFFF;
	(pc) =	sbr.rel @p0 .LBB2_1-.Ltmp1, $4  }
0x56: {  	[hbm:s7], [sflag:s10] =	dma.local [spmem:s11], $0x2800  }
0x57: {  	_ =	swait.ge [sflag:s12], $0x2800  }
0x58: {  	[sflag:s12] =	ssyncset.done $0x0  }
0x59: {  	[sflag:s12] =	ssyncadd.s32 $0xFFFFD800  }
0x5a: {  	_ =	sfence.sel $0x180000  }
0x5b: {  	[bflag:$0x0] =	sbarrier.arrive $0xFFFF  }
0x5c: {  	p0 =	sne.s32 s0, $0x0;
	_ =	strace $0x9000004A  }
0x5d: {  	s0 =	sadd.s32 @!p0 $0x100000, s1;
	[bflag:$0x2] =	sbarrier.arrive $0xFFFF  }
0x5e: {  	[sflag:s0] =	ssyncadd.tile.s32 @!p0 $0x1;
	_ =	shalt  }
.Lfunc_end2:
_tile_overlayer_lowered:
.L_overlay_start_2:
0x5f: {  	(tag) =	ssettag $0x2  }
0x60: {  	s0 =	rddreg [dreg:$0x0];
	s2 =	stileid.u32  }
0x61: {  	s1 =	rddreg [dreg:$0x1];
	p0 =	sne.s32 s2, $0x0  }
0x62: {  	s3 =	rddreg [dreg:$0x2];
	[bflag:$0x3] =	sbarrier.arrive $0xFFFF;
	s2 =	simm.s32 @!p0 $0x1C03  }
0x63: {  	[timem:s3], [sflag:s2] =	dma.local @!p0 [hbm:s0], s1  }
0x64: {  	s0 =	simm.s32 @!p0 $0x3  }
0x65: {  	_ =	swait.ge @!p0 [sflag:s0], s1  }
0x66: {  	s1 =	ssub.s32 @!p0 $0x0, s1;
	[sflag:s0] =	ssyncset.done @!p0 $0x0  }
0x67: {  	[sflag:s0] =	ssyncadd.s32 @!p0 s1  }
0x68: {  	[bflag:$0x3] =	sbarrier.arrive $0xFFFF  }
0x69: {  	_ =	shalt  }

// kernel: kernel.16.cloned.1.call-start
scs
__scs_entry_jumppad:
0x0: {  	(pc) =	sbr.rel $0x88, $3  }
0x1: {  	(tag) =	ssettag $0x0;
	lr =	simm.s32 $0x1  }
0x2: {  	[smem:$0x3F99] =	sst lr;
	_ =	strace $0xD0000000  }
0x3: {  	_ = 	snop  }
0x4: {  	_ = 	snop  }
0x5: {  	_ = 	snop  }
0x6: {  	_ = 	snop  }
0x7: {  	_ = 	snop  }
__scs_overlays_trampoline_lowered:
0x8: {  	[smem:$0x3FA8] =	sst s0  }
0x9: {  	[smem:$0x3FA9] =	sst s1  }
0xa: {  	[smem:$0x3FAA] =	sst s2  }
0xb: {  	[smem:$0x3FAB] =	sst s3  }
0xc: {  	[smem:$0x3FAC] =	sst s4  }
0xd: {  	[smem:$0x3FAD] =	sst s5  }
0xe: {  	[smem:$0x3FAE] =	sst s6  }
0xf: {  	[smem:$0x3FAF] =	sst s7  }
0x10: {  	[smem:$0x3FB0] =	sst s8  }
0x11: {  	[smem:$0x3FB1] =	sst s9;
	s0 =	simm.s32 @!p0 $0x0  }
0x12: {  	s1 =	sld [smem:$0x3F97];
	s0 =	simm.s32 @p0 $0x1  }
0x13: {  	[smem:$0x3FB2] =	sst s0;
	s0 =	simm.s32 @!p1 $0x0  }
0x14: {  	s2 =	sld [smem:$0x3F96];
	s0 =	simm.s32 @p1 $0x1  }
0x15: {  	[smem:$0x3FB3] =	sst s0;
	s0 =	simm.s32 @!p2 $0x0  }
0x16: {  	s3 =	sld [smem:$0x3FDB];
	s0 =	simm.s32 @p2 $0x1  }
0x17: {  	s4 =	simm.s32 $0x1BF5;
	[smem:$0x3FB5] =	sst s0  }
0x18: {  	s0 =	sld [smem:$0x3F98];
	_ =	swait.ge [sflag:s4], $0x0  }
0x19: {  	s7 =	sld [smem:$0x3F99]  }
0x1a: {  	s8 =	sadd.s32 $0xFFFFE003, lr  }
0x1b: {  	s9 =	sadd.s32 $0xFFFFFEF7, lr;
	s5 =	simm.s32 $0xFFFFFFFF;
	p2 =	slt.u32 s8, $0xFFFFF086  }
0x1c: {  	p1 =	slt.u32 s9, $0xF7A;
	s5 =	simm.s32 @!p2 $0x0  }
0x1d: {  	s5 =	simm.s32 @p1 $0x1;
	p0 =	seq.s32 s7, s2  }
0x1e: {  	s7 =	smul.u32 @!p0 $0xF7A, s2;
	p2 =	seq.s32 @!p0 s5, $0x0  }
0x1f: {  	s9 =	smul.u32 $0xF7A, s1;
	s8 =	simm.s32 @!p0 $0x1BF5;
	p2 =	por !p2, p0  }
0x20: {  	[sflag:s8] =	ssyncset.s32 @!p0 $0xFFFFF086;
	s6 =	sadd.s32 @!p0 s3, s7;
	s7 =	simm.s32 @!p0 $0x108  }
0x21: {  	s3 =	sadd.s32 s3, s9;
	s6 =	sadd.s32 @!p0 $0x88, s6;
	s7 =	simm.s32 @p2 $0x1082  }
0x22: {  	[simem:s7], [sflag:s8] =	dma.local @!p0 [hbm:s6], $0xF7A  }
0x23: {  	s9 =	sor.u32 $0xD0000000, s2;
	s6 =	simm.s32 $0x108;
	_ =	swait.ge @!p0 [sflag:s8], $0x0  }
0x24: {  	s3 =	sadd.s32 $0x88, s3;
	s6 =	simm.s32 @!p1 $0x1082;
	[sflag:s4] =	ssyncset.s32 $0xFFFFF086  }
0x25: {  	[simem:s6], [sflag:s4] =	dma.local [hbm:s3], $0xF7A  }
0x26: {  	[smem:$0x3F99] =	sst s1;
	(tag) =	ssettag s2;
	_ =	strace s9  }
0x27: {  	s1 =	sld [smem:$0x3FA9]  }
0x28: {  	s2 =	sld [smem:$0x3FAA]  }
0x29: {  	s4 =	sld [smem:$0x3FAC]  }
0x2a: {  	p0 =	seq.s32 s5, $0x0;
	s5 =	sld [smem:$0x3FAD]  }
0x2b: {  	s6 =	sld [smem:$0x3FAE]  }
0x2c: {  	s7 =	sld [smem:$0x3FAF]  }
0x2d: {  	s3 =	simm.s32 $0x108;
	s8 =	sld [smem:$0x3FB0]  }
0x2e: {  	s3 =	simm.s32 @!p0 $0x1082;
	s9 =	sld [smem:$0x3FB1]  }
0x2f: {  	lr =	sadd.s32 s0, s3;
	s0 =	sld [smem:$0x3FA8]  }
0x30: {  	s3 =	sld [smem:$0x3FAB]  }
0x31: {  	[smem:$0x3FB4] =	sst s10  }
0x32: {  	s10 =	sld [smem:$0x3FB2];
	_ =	sdelay $0x3  }
0x33: {  	p0 =	seq.s32 s10, $0x1;
	s10 =	sld [smem:$0x3FB4];
	_ =	sdelay $0x3  }
0x34: {  	[smem:$0x3FB4] =	sst s10  }
0x35: {  	s10 =	sld [smem:$0x3FB3];
	_ =	sdelay $0x3  }
0x36: {  	p1 =	seq.s32 s10, $0x1;
	s10 =	sld [smem:$0x3FB4];
	_ =	sdelay $0x3  }
0x37: {  	[smem:$0x3FB4] =	sst s10  }
0x38: {  	s10 =	sld [smem:$0x3FB5]  }
0x39: {  	_ = 	snop;
	(pc) =	sbr.ind lr, $3  }
0x3a: {  	_ = 	snop  }
0x3b: {  	_ = 	snop  }
0x3c: {  	p2 =	seq.s32 s10, $0x1;
	s10 =	sld [smem:$0x3FB4]  }
0x3d: {  	_ =	shalt  }
0x3e: {  	_ =	shalt  }
0x3f: {  	_ =	shalt  }
0x40: {  	_ =	shalt  }
0x41: {  	_ =	shalt  }
0x42: {  	_ =	shalt  }
0x43: {  	_ =	shalt  }
0x44: {  	_ =	shalt  }
0x45: {  	_ =	shalt  }
0x46: {  	_ =	shalt  }
0x47: {  	_ =	shalt  }
0x48: {  	_ =	shalt  }
0x49: {  	_ =	shalt  }
0x4a: {  	_ =	shalt  }
0x4b: {  	_ =	shalt  }
0x4c: {  	_ =	shalt  }
0x4d: {  	_ =	shalt  }
0x4e: {  	_ =	shalt  }
0x4f: {  	_ =	shalt  }
0x50: {  	_ =	shalt  }
0x51: {  	_ =	shalt  }
0x52: {  	_ =	shalt  }
0x53: {  	_ =	shalt  }
0x54: {  	_ =	shalt  }
0x55: {  	_ =	shalt  }
0x56: {  	_ =	shalt  }
0x57: {  	_ =	shalt  }
0x58: {  	_ =	shalt  }
0x59: {  	_ =	shalt  }
0x5a: {  	_ =	shalt  }
0x5b: {  	_ =	shalt  }
0x5c: {  	_ =	shalt  }
0x5d: {  	_ =	shalt  }
0x5e: {  	_ =	shalt  }
0x5f: {  	_ =	shalt  }
0x60: {  	_ =	shalt  }
0x61: {  	_ =	shalt  }
0x62: {  	_ =	shalt  }
0x63: {  	_ =	shalt  }
0x64: {  	_ =	shalt  }
0x65: {  	_ =	shalt  }
0x66: {  	_ =	shalt  }
0x67: {  	_ =	shalt  }
0x68: {  	_ =	shalt  }
0x69: {  	_ =	shalt  }
0x6a: {  	_ =	shalt  }
0x6b: {  	_ =	shalt  }
0x6c: {  	_ =	shalt  }
0x6d: {  	_ =	shalt  }
0x6e: {  	_ =	shalt  }
0x6f: {  	_ =	shalt  }
0x70: {  	_ =	shalt  }
0x71: {  	_ =	shalt  }
0x72: {  	_ =	shalt  }
0x73: {  	_ =	shalt  }
0x74: {  	_ =	shalt  }
0x75: {  	_ =	shalt  }
0x76: {  	_ =	shalt  }
0x77: {  	_ =	shalt  }
0x78: {  	_ =	shalt  }
0x79: {  	_ =	shalt  }
0x7a: {  	_ =	shalt  }
0x7b: {  	_ =	shalt  }
0x7c: {  	_ =	shalt  }
0x7d: {  	_ =	shalt  }
0x7e: {  	_ =	shalt  }
0x7f: {  	_ =	shalt  }
0x80: {  	_ =	shalt  }
0x81: {  	_ =	shalt  }
0x82: {  	_ =	shalt  }
0x83: {  	_ =	shalt  }
0x84: {  	_ =	shalt  }
0x85: {  	_ =	shalt  }
0x86: {  	_ =	shalt  }
0x87: {  	_ =	shalt  }
.Lfunc_end0:
.L_simem_size_0:
called_computation.2_lowered:
.L_overlay_start_0:
0x88: {  	s2 =	sld [smem:$0x3FD9]  }
0x89: {  	s3 =	sld [smem:$0x3FFE];
	_ =	sdelay $0x1  }
0x8a: {  	s1 =	srdreg.scid  }
0x8b: {  	s0 =	sand.u32 $0x1, s1  }
0x8c: {  	s16 =	sshll.u32 s0, $0xA;
	s2 =	sadd.s32 s3, s2  }
0x8d: {  	s2 =	sadd.s32 s2, s16  }
0x8e: {  	[smem:$0x3FC0] =	sst s2  }
0x8f: {  	_ = 	snop  }
0x90: {  	(tm) =	ssettm $0x1  }
0x91: {  	s17 =	sld [smem:$0x3FFB];
	_ =	sdelay $0x3  }
0x92: {  	_ =	strace s17  }
0x93: {  	s2 =	sld [smem:$0x3FFC];
	_ =	sdelay $0x3  }
0x94: {  	_ =	strace s2  }
0x95: {  	s2 =	sld [smem:$0x3FFD];
	_ =	sdelay $0x3  }
0x96: {  	_ =	strace s2  }
0x97: {  	_ =	strace $0x8FFFFFFF  }
0x98: {  	s18 =	sld [smem:$0x3FDB];
	_ =	sdelay $0x1  }
0x99: {  	s19 =	simm.s32 $_scs_section_size  }
0x9a: {  	s4 =	simm.s32 $_size__tile_overlayer_lowered;
	s5 =	simm.s32 $_tile_overlayer_lowered  }
0x9b: {  	s22 =	simm.s32 $0x1BFF;
	s21 =	sshll.u32 s5, $0x1;
	s2 =	sadd.s32 s19, s18  }
0x9c: {  	s6 =	simm.s32 $0x0;
	s20 =	sshll.u32 s4, $0x1;
	s4 =	sadd.s32 s21, s2  }
0x9d: {  	[timem:s6], [sflag:s22] =	dma.local [hbm:s4], s20  }
0x9e: {  	_ =	swait.ge [sflag:s22], s20  }
0x9f: {  	s3 =	ssub.s32 $0x0, s20;
	[sflag:s22] =	ssyncset.done $0x0  }
0xa0: {  	[sflag:s22] =	ssyncadd.s32 s3;
	_ =	sdelay $0x1  }
0xa1: {  	s23 =	simm.s32 $0x1B8B  }
0xa2: {  	_ =	swait.ge [sflag:s23], $0x1  }
0xa3: {  	[sflag:s23] =	ssyncset.done $0x0  }
0xa4: {  	s25 =	simm.s32 $0x1B8E;
	s24 =	sld [smem:$0x3FFE];
	[sflag:s23] =	ssyncadd.s32 $0xFFFFFFFF  }
0xa5: {  	s26 =	simm.s32 $execute0_lowered;
	[smem:$0x3FD2] =	sst s25  }
0xa6: {  	s4 =	sshll.u32 s26, $0x1;
	_ =	strace $0x8000004C;
	[dreg:$0x1] =	wrdreg $0xFFFFFFFF  }
0xa7: {  	s28 =	simm.s32 $_size_execute0_lowered;
	s2 =	sadd.s32 s2, s4;
	[dreg:$0x0] =	wrdreg $0x0  }
0xa8: {  	s4 =	sshll.u32 s28, $0x1;
	[dreg:$0x2] =	wrdreg s2  }
0xa9: {  	[dreg:$0x3] =	wrdreg s4  }
0xaa: {  	[dreg:$0x4] =	wrdreg $0xC0  }
0xab: {  	_ =	task [dreg:s6], $0x5FFFF  }
0xac: {  	[dreg:$0x1] =	wrdreg $0xFFFFFFFF  }
0xad: {  	[dreg:$0x0] =	wrdreg $0x60  }
0xae: {  	[dreg:$0x2] =	wrdreg s24  }
0xaf: {  	[dreg:$0x3] =	wrdreg $0x0  }
0xb0: {  	[dreg:$0x4] =	wrdreg $0x9  }
0xb1: {  	_ =	task.clear_ibuf [dreg:s6], $0x5FFFF;
	_ =	strace $0x9000004C  }
0xb2: {  	s29 =	simm.s32 $0x9;
	_ =	strace $0x8000004E  }
0xb3: {  	_ =	swait.ge [sflag:s29], $0x1  }
0xb4: {  	[sflag:s29] =	ssyncadd.s32 $0xFFFFFFFF  }
0xb5: {  	_ =	strace $0x9000004E  }
0xb6: {  	_ =	sfence  }
0xb7: {  	s30 =	sld [smem:$0x0];
	_ =	sdelay $0x2  }
0xb8: {  	s31 =	sshll.u32 s1, $0xD;
	s1 =	sshrl.u32 s1, $0x2  }
0xb9: {  	s3 =	sand.u32 $0x4000, s31;
	s1 =	sadd.s32 s1, s30  }
0xba: {  	s0 =	sor.u32 s3, s0;
	s1 =	sshll.u32 s1, $0x11  }
0xbb: {  	s0 =	sor.u32 s1, s0  }
0xbc: {  	s0 =	sadd.s32 $0x8F2B, s0  }
0xbd: {  	[sflag:s0] =	ssyncadd.remote.s32 $0x1  }
0xbe: {  	_ =	sfence.sel $0xFFFF  }
0xbf: {  	[dreg:$0x0] =	wrdreg $0xFFFFFFFF;
	(pc) =	sbr.abs _section_cstart, $3  }
0xc0: {  	[dreg:$0x1] =	wrdreg $0xFFFFFFFF  }
0xc1: {  	_ =	task.clear_ibuf [dreg:s6], $0x2FFFF;
	_ =	strace $0x9FFFFFFF  }
0xc2: {  	(tm) =	ssettm $0x7FFFFFFF  }
0xc3: {  	_ =	shalt  }
tec
execute0_lowered:
.L_overlay_start_1:
0x0: {  	(tag) =	ssettag $0x1  }
0x1: {  	s6 =	rddreg [dreg:$0x0]  }
0x2: {  	s0 =	srdreg.scid;
	s2 =	rddreg [dreg:$0x1]  }
0x3: {  	s3 =	simm.s32 $0x0;
	s14 =	simm.s32 $0x400;
	s15 =	simm.s32 $0x14000  }
0x4: {  	s16 =	simm.s32 $0x40;
	s17 =	simm.s32 $0x1B800;
	s18 =	simm.s32 $0x1D800  }
0x5: {  	s19 =	simm.s32 $0x1;
	s20 =	simm.s32 $0x2;
	s5 =	sand.u32 $0x1, s0  }
0x6: {  	s21 =	simm.s32 $0x0;
	s0 =	stileid.u32;
	s9 =	smul.u32 $0x140000, s5  }
0x7: {  	[smem:$0x7FF] =	sst s3;
	s11 =	sadd.s32 $0x49600, s6;
	s10 =	smul.u32 $0x14000, s0  }
0x8: {  	s1 =	sshll.u32 s5, $0x4;
	s8 =	sshll.u32 s0, $0x7;
	s12 =	smul.u32 $0x50000, s0  }
0x9: {  	s28 =	ssub.s32 $0x2, s5;
	p0 =	seq.s32 s5, $0x0;
	s13 =	smul.u32 $0x2800, s0  }
0xa: {  	s31 =	sshll.u32 s0, $0x6;
	s7 =	sor.u32 s0, s1;
	s1 =	rddreg [dreg:$0x2]  }
0xb: {  	s8 =	sand.u32 $0x380, s8;
	s4 =	sshrl.u32 s7, $0x3;
	s7 =	smul.u32 $0xA00, s7  }
0xc: {  	_ =	strace $0x8000004D;
	s29 =	sshrl.u32 s28, $0x1;
	s4 =	smul.u32 $0x14000, s4  }
0xd: {  	s9 =	sadd.s32 s10, s9;
	s10 =	ssub.s32 s28, s29;
	s30 =	sshrl.u32 s12, $0x2  }
0xe: {  	s9 =	sshrl.u32 s9, $0x3;
	s12 =	sadd.s32 s30, s2;
	s8 =	sor.u32 s8, s4  }
0xf: {  	s7 =	sadd.s32 s7, s6;
	s4 =	sadd.s32 $0x21600, s6;
	s8 =	sshrl.u32 s8, $0x3  }
0x10: {  	s9 =	sadd.s32 s9, s6;
	s11 =	smov.u32 @p0 s4;
	s8 =	sadd.s32 s8, s6  }
0x11: {  	s6 =	sadd.s32 $0x3600, s7;
	s7 =	sadd.s32 $0x71600, s9;
	s9 =	sadd.s32 s11, s13  }
0x12: {  	s11 =	sshrl.u32 s12, $0x3;
	s12 =	simm.s32 $0x3;
	s13 =	simm.s32 $0x80  }
0x13: {  	s5 =	sadd.s32 $0x17600, s8;
	s8 =	smax.u32 s10, $0x1;
	s10 =	sor.u32 $0x1C03, s31  }
.LBB2_1:
0x14: {  	[spmem:s11], [sflag:s10] =	dma.local [hbm:s9], $0x2800  }
0x15: {  	_ =	swait.ge [sflag:s12], $0x2800  }
0x16: {  	[sflag:s12] =	ssyncset.done $0x0  }
0x17: {  	[sflag:s12] =	ssyncadd.s32 $0xFFFFD800  }
0x18: {  	[tilespmem:s15], [sflag:$0x3] =	stream.strided.gather [hbm4b:s5+s13], $0x2800, s14, s13, $0x38;
	[tilespmem:$0x1F800] =	vst v63  }
0x19: {  	_ =	swait.ge [sflag:s12], $0x2800  }
0x1a: {  	[sflag:s12] =	ssyncset.done $0x0  }
0x1b: {  	s22 =	simm.s32 $0x16800;
	[sflag:s12] =	ssyncadd.s32 $0xFFFFD800  }
0x1c: {  	[tilespmem:s22], [sflag:$0x3] =	stream.linear.gather [hbm4b:s6+s3], $0x5000, $0x38;
	[tilespmem:$0x1F800] =	vst v63  }
0x1d: {  	_ =	swait.ge [sflag:s12], $0x5000  }
0x1e: {  	[sflag:s12] =	ssyncset.done $0x0  }
0x1f: {  	[sflag:s12] =	ssyncadd.s32 $0xFFFFB000  }
0x20: {  	s23 =	simm.s32 $0x14000;
	[bflag:$0x0] =	sbarrier.arrive $0xFFFF  }
0x21: {  	[tilespmem:s17], [sflag:$0x1] =	stream.indirect.gather [hbm4b:s4+s16], $0x80, s23, s16, $0xb8;
	[tilespmem:$0x1F800] =	vst v63  }
0x22: {  	s30 =	simm.s32 $0x14040  }
0x23: {  	[tilespmem:s18], [sflag:$0x2] =	stream.indirect.gather [hbm4b:s4+s16], $0x80, s30, s16, $0xb8;
	[tilespmem:$0x1F800] =	vst v63  }
0x24: {  	_ =	swait.ge [sflag:s19], $0x2000  }
0x25: {  	[sflag:s19] =	ssyncset.done $0x0  }
0x26: {  	[sflag:s19] =	ssyncadd.s32 $0xFFFFE000  }
0x27: {  	[spmem:s2] =	stream.indirect.scatter.add.f32 [tilespmem:s17], [sflag:$0x3], $0x80, s22, s16, $0xb8;
	[tilespmem:$0x1F800] =	vst v63  }
0x28: {  	_ =	swait.ge [sflag:s12], $0x2000  }
0x29: {  	[sflag:s12] =	ssyncset.done $0x0  }
0x2a: {  	[sflag:s12] =	ssyncadd.s32 $0xFFFFE000  }
0x2b: {  	_ =	swait.ge [sflag:s20], $0x2000  }
0x2c: {  	[sflag:s20] =	ssyncset.done $0x0  }
0x2d: {  	s31 =	simm.s32 $0x16880;
	[sflag:s20] =	ssyncadd.s32 $0xFFFFE000  }
0x2e: {  	[spmem:s2] =	stream.indirect.scatter.add.f32 [tilespmem:s18], [sflag:$0x3], $0x80, s31, s16, $0xb8;
	[tilespmem:$0x1F800] =	vst v63  }
0x2f: {  	s24 =	simm.s32 $0x400;
	_ =	swait.ge [sflag:s12], $0x2000  }
0x30: {  	s23 =	simm.s32 $0x80;
	s22 =	simm.s32 $0x16900;
	[sflag:s12] =	ssyncset.done $0x0  }
.LBB2_2:
0x31: {  	s25 =	sadd.s32 $0x14000, s23  }
0x32: {  	[sflag:s12] =	ssyncadd.s32 $0xFFFFE000;
	s26 =	smov.u32 s24;
	s28 =	sadd.s32 $0x200, s24  }
0x33: {  	[tilespmem:s17], [sflag:$0x1] =	stream.indirect.gather [hbm4b:s4+s16], $0x80, s25, s16, $0xb8;
	[tilespmem:$0x1F800] =	vst v63  }
0x34: {  	p0 =	sne.s32 s24, $0x9E00;
	s23 =	sadd.s32 $0x14040, s23  }
0x35: {  	[tilespmem:s18], [sflag:$0x2] =	stream.indirect.gather [hbm4b:s4+s16], $0x80, s23, s16, $0xb8;
	[tilespmem:$0x1F800] =	vst v63  }
0x36: {  	_ =	swait.ge [sflag:s19], $0x2000  }
0x37: {  	[sflag:s19] =	ssyncset.done $0x0  }
0x38: {  	[sflag:s19] =	ssyncadd.s32 $0xFFFFE000  }
0x39: {  	[spmem:s2] =	stream.indirect.scatter.add.f32 [tilespmem:s17], [sflag:$0x3], $0x80, s22, s16, $0xb8;
	[tilespmem:$0x1F800] =	vst v63  }
0x3a: {  	_ =	swait.ge [sflag:s12], $0x2000  }
0x3b: {  	[sflag:s12] =	ssyncset.done $0x0  }
0x3c: {  	[sflag:s12] =	ssyncadd.s32 $0xFFFFE000  }
0x3d: {  	_ =	swait.ge [sflag:s20], $0x2000  }
.Ltmp0:
0x3e: {  	[sflag:s20] =	ssyncset.done $0x0;
	(pc) =	sbr.rel @p0 .LBB2_2-.Ltmp0, $4  }
0x3f: {  	s23 =	sadd.s32 $0x80, s22;
	[sflag:s20] =	ssyncadd.s32 $0xFFFFE000  }
0x40: {  	[spmem:s2] =	stream.indirect.scatter.add.f32 [tilespmem:s18], [sflag:$0x3], $0x80, s23, s16, $0xb8;
	[tilespmem:$0x1F800] =	vst v63  }
0x41: {  	s24 =	smov.u32 s28;
	_ =	swait.ge [sflag:s12], $0x2000  }
0x42: {  	s22 =	sadd.s32 $0x100, s22;
	s23 =	sshra.s32 s26, $0x2;
	[sflag:s12] =	ssyncset.done $0x0  }
0x43: {  	s24 =	sadd.s32 $0x14000, s23;
	[sflag:s12] =	ssyncadd.s32 $0xFFFFE000  }
0x44: {  	[tilespmem:s17], [sflag:$0x1] =	stream.indirect.gather [hbm4b:s4+s16], $0x80, s24, s16, $0xb8;
	[tilespmem:$0x1F800] =	vst v63  }
0x45: {  	s30 =	sadd.s32 $0x14040, s23  }
0x46: {  	[tilespmem:s18], [sflag:$0x2] =	stream.indirect.gather [hbm4b:s4+s16], $0x80, s30, s16, $0xb8;
	[tilespmem:$0x1F800] =	vst v63  }
0x47: {  	_ =	swait.ge [sflag:s19], $0x2000  }
0x48: {  	[sflag:s19] =	ssyncset.done $0x0  }
0x49: {  	[sflag:s19] =	ssyncadd.s32 $0xFFFFE000  }
0x4a: {  	[spmem:s2] =	stream.indirect.scatter.add.f32 [tilespmem:s17], [sflag:$0x3], $0x80, s22, s16, $0xb8;
	[tilespmem:$0x1F800] =	vst v63  }
0x4b: {  	_ =	swait.ge [sflag:s12], $0x2000  }
0x4c: {  	[sflag:s12] =	ssyncset.done $0x0  }
0x4d: {  	[sflag:s12] =	ssyncadd.s32 $0xFFFFE000  }
0x4e: {  	_ =	swait.ge [sflag:s20], $0x2000  }
0x4f: {  	[sflag:s20] =	ssyncset.done $0x0  }
0x50: {  	s31 =	sadd.s32 $0x80, s22;
	[sflag:s20] =	ssyncadd.s32 $0xFFFFE000  }
0x51: {  	[spmem:s2] =	stream.indirect.scatter.add.f32 [tilespmem:s18], [sflag:$0x3], $0x80, s31, s16, $0xb8;
	[tilespmem:$0x1F800] =	vst v63  }
0x52: {  	_ =	swait.ge [sflag:s12], $0x2000  }
0x53: {  	s21 =	sadd.s32 $0x1, s21;
	[sflag:s12] =	ssyncset.done $0x0  }
0x54: {  	p0 =	sne.s32 s21, s8;
	[sflag:s12] =	ssyncadd.s32 $0xFFFFE000  }
.Ltmp1:
0x55: {  	[bflag:$0x0] =	sbarrier.arrive $0xFFFF;
	(pc) =	sbr.rel @p0 .LBB2_1-.Ltmp1, $4  }
0x56: {  	[hbm:s7], [sflag:s10] =	dma.local [spmem:s11], $0x2800  }
0x57: {  	_ =	swait.ge [sflag:s12], $0x2800  }
0x58: {  	[sflag:s12] =	ssyncset.done $0x0  }
0x59: {  	[sflag:s12] =	ssyncadd.s32 $0xFFFFD800  }
0x5a: {  	_ =	sfence.sel $0x180000  }
0x5b: {  	[bflag:$0x0] =	sbarrier.arrive $0xFFFF  }
0x5c: {  	p0 =	sne.s32 s0, $0x0;
	_ =	strace $0x9000004D  }
0x5d: {  	s0 =	sadd.s32 @!p0 $0x100000, s1;
	[bflag:$0x2] =	sbarrier.arrive $0xFFFF  }
0x5e: {  	[sflag:s0] =	ssyncadd.tile.s32 @!p0 $0x1;
	_ =	shalt  }
.Lfunc_end2:
_tile_overlayer_lowered:
.L_overlay_start_2:
0x5f: {  	(tag) =	ssettag $0x2  }
0x60: {  	s0 =	rddreg [dreg:$0x0];
	s2 =	stileid.u32  }
0x61: {  	s1 =	rddreg [dreg:$0x1];
	p0 =	sne.s32 s2, $0x0  }
0x62: {  	s3 =	rddreg [dreg:$0x2];
	[bflag:$0x3] =	sbarrier.arrive $0xFFFF;
	s2 =	simm.s32 @!p0 $0x1C03  }
0x63: {  	[timem:s3], [sflag:s2] =	dma.local @!p0 [hbm:s0], s1  }
0x64: {  	s0 =	simm.s32 @!p0 $0x3  }
0x65: {  	_ =	swait.ge @!p0 [sflag:s0], s1  }
0x66: {  	s1 =	ssub.s32 @!p0 $0x0, s1;
	[sflag:s0] =	ssyncset.done @!p0 $0x0  }
0x67: {  	[sflag:s0] =	ssyncadd.s32 @!p0 s1  }
0x68: {  	[bflag:$0x3] =	sbarrier.arrive $0xFFFF  }
0x69: {  	_ =	shalt  }

// kernel: kernel.19.cloned.1.call-start
scs
__scs_entry_jumppad:
0x0: {  	(pc) =	sbr.rel $0x88, $3  }
0x1: {  	(tag) =	ssettag $0x0;
	lr =	simm.s32 $0x1  }
0x2: {  	[smem:$0x3F99] =	sst lr;
	_ =	strace $0xD0000000  }
0x3: {  	_ = 	snop  }
0x4: {  	_ = 	snop  }
0x5: {  	_ = 	snop  }
0x6: {  	_ = 	snop  }
0x7: {  	_ = 	snop  }
__scs_overlays_trampoline_lowered:
0x8: {  	[smem:$0x3FA8] =	sst s0  }
0x9: {  	[smem:$0x3FA9] =	sst s1  }
0xa: {  	[smem:$0x3FAA] =	sst s2  }
0xb: {  	[smem:$0x3FAB] =	sst s3  }
0xc: {  	[smem:$0x3FAC] =	sst s4  }
0xd: {  	[smem:$0x3FAD] =	sst s5  }
0xe: {  	[smem:$0x3FAE] =	sst s6  }
0xf: {  	[smem:$0x3FAF] =	sst s7  }
0x10: {  	[smem:$0x3FB0] =	sst s8  }
0x11: {  	[smem:$0x3FB1] =	sst s9;
	s0 =	simm.s32 @!p0 $0x0  }
0x12: {  	s1 =	sld [smem:$0x3F97];
	s0 =	simm.s32 @p0 $0x1  }
0x13: {  	[smem:$0x3FB2] =	sst s0;
	s0 =	simm.s32 @!p1 $0x0  }
0x14: {  	s2 =	sld [smem:$0x3F96];
	s0 =	simm.s32 @p1 $0x1  }
0x15: {  	[smem:$0x3FB3] =	sst s0;
	s0 =	simm.s32 @!p2 $0x0  }
0x16: {  	s3 =	sld [smem:$0x3FDB];
	s0 =	simm.s32 @p2 $0x1  }
0x17: {  	s4 =	simm.s32 $0x1BF5;
	[smem:$0x3FB5] =	sst s0  }
0x18: {  	s0 =	sld [smem:$0x3F98];
	_ =	swait.ge [sflag:s4], $0x0  }
0x19: {  	s7 =	sld [smem:$0x3F99]  }
0x1a: {  	s8 =	sadd.s32 $0xFFFFE003, lr  }
0x1b: {  	s9 =	sadd.s32 $0xFFFFFEF7, lr;
	s5 =	simm.s32 $0xFFFFFFFF;
	p2 =	slt.u32 s8, $0xFFFFF086  }
0x1c: {  	p1 =	slt.u32 s9, $0xF7A;
	s5 =	simm.s32 @!p2 $0x0  }
0x1d: {  	s5 =	simm.s32 @p1 $0x1;
	p0 =	seq.s32 s7, s2  }
0x1e: {  	s7 =	smul.u32 @!p0 $0xF7A, s2;
	p2 =	seq.s32 @!p0 s5, $0x0  }
0x1f: {  	s9 =	smul.u32 $0xF7A, s1;
	s8 =	simm.s32 @!p0 $0x1BF5;
	p2 =	por !p2, p0  }
0x20: {  	[sflag:s8] =	ssyncset.s32 @!p0 $0xFFFFF086;
	s6 =	sadd.s32 @!p0 s3, s7;
	s7 =	simm.s32 @!p0 $0x108  }
0x21: {  	s3 =	sadd.s32 s3, s9;
	s6 =	sadd.s32 @!p0 $0x88, s6;
	s7 =	simm.s32 @p2 $0x1082  }
0x22: {  	[simem:s7], [sflag:s8] =	dma.local @!p0 [hbm:s6], $0xF7A  }
0x23: {  	s9 =	sor.u32 $0xD0000000, s2;
	s6 =	simm.s32 $0x108;
	_ =	swait.ge @!p0 [sflag:s8], $0x0  }
0x24: {  	s3 =	sadd.s32 $0x88, s3;
	s6 =	simm.s32 @!p1 $0x1082;
	[sflag:s4] =	ssyncset.s32 $0xFFFFF086  }
0x25: {  	[simem:s6], [sflag:s4] =	dma.local [hbm:s3], $0xF7A  }
0x26: {  	[smem:$0x3F99] =	sst s1;
	(tag) =	ssettag s2;
	_ =	strace s9  }
0x27: {  	s1 =	sld [smem:$0x3FA9]  }
0x28: {  	s2 =	sld [smem:$0x3FAA]  }
0x29: {  	s4 =	sld [smem:$0x3FAC]  }
0x2a: {  	p0 =	seq.s32 s5, $0x0;
	s5 =	sld [smem:$0x3FAD]  }
0x2b: {  	s6 =	sld [smem:$0x3FAE]  }
0x2c: {  	s7 =	sld [smem:$0x3FAF]  }
0x2d: {  	s3 =	simm.s32 $0x108;
	s8 =	sld [smem:$0x3FB0]  }
0x2e: {  	s3 =	simm.s32 @!p0 $0x1082;
	s9 =	sld [smem:$0x3FB1]  }
0x2f: {  	lr =	sadd.s32 s0, s3;
	s0 =	sld [smem:$0x3FA8]  }
0x30: {  	s3 =	sld [smem:$0x3FAB]  }
0x31: {  	[smem:$0x3FB4] =	sst s10  }
0x32: {  	s10 =	sld [smem:$0x3FB2];
	_ =	sdelay $0x3  }
0x33: {  	p0 =	seq.s32 s10, $0x1;
	s10 =	sld [smem:$0x3FB4];
	_ =	sdelay $0x3  }
0x34: {  	[smem:$0x3FB4] =	sst s10  }
0x35: {  	s10 =	sld [smem:$0x3FB3];
	_ =	sdelay $0x3  }
0x36: {  	p1 =	seq.s32 s10, $0x1;
	s10 =	sld [smem:$0x3FB4];
	_ =	sdelay $0x3  }
0x37: {  	[smem:$0x3FB4] =	sst s10  }
0x38: {  	s10 =	sld [smem:$0x3FB5]  }
0x39: {  	_ = 	snop;
	(pc) =	sbr.ind lr, $3  }
0x3a: {  	_ = 	snop  }
0x3b: {  	_ = 	snop  }
0x3c: {  	p2 =	seq.s32 s10, $0x1;
	s10 =	sld [smem:$0x3FB4]  }
0x3d: {  	_ =	shalt  }
0x3e: {  	_ =	shalt  }
0x3f: {  	_ =	shalt  }
0x40: {  	_ =	shalt  }
0x41: {  	_ =	shalt  }
0x42: {  	_ =	shalt  }
0x43: {  	_ =	shalt  }
0x44: {  	_ =	shalt  }
0x45: {  	_ =	shalt  }
0x46: {  	_ =	shalt  }
0x47: {  	_ =	shalt  }
0x48: {  	_ =	shalt  }
0x49: {  	_ =	shalt  }
0x4a: {  	_ =	shalt  }
0x4b: {  	_ =	shalt  }
0x4c: {  	_ =	shalt  }
0x4d: {  	_ =	shalt  }
0x4e: {  	_ =	shalt  }
0x4f: {  	_ =	shalt  }
0x50: {  	_ =	shalt  }
0x51: {  	_ =	shalt  }
0x52: {  	_ =	shalt  }
0x53: {  	_ =	shalt  }
0x54: {  	_ =	shalt  }
0x55: {  	_ =	shalt  }
0x56: {  	_ =	shalt  }
0x57: {  	_ =	shalt  }
0x58: {  	_ =	shalt  }
0x59: {  	_ =	shalt  }
0x5a: {  	_ =	shalt  }
0x5b: {  	_ =	shalt  }
0x5c: {  	_ =	shalt  }
0x5d: {  	_ =	shalt  }
0x5e: {  	_ =	shalt  }
0x5f: {  	_ =	shalt  }
0x60: {  	_ =	shalt  }
0x61: {  	_ =	shalt  }
0x62: {  	_ =	shalt  }
0x63: {  	_ =	shalt  }
0x64: {  	_ =	shalt  }
0x65: {  	_ =	shalt  }
0x66: {  	_ =	shalt  }
0x67: {  	_ =	shalt  }
0x68: {  	_ =	shalt  }
0x69: {  	_ =	shalt  }
0x6a: {  	_ =	shalt  }
0x6b: {  	_ =	shalt  }
0x6c: {  	_ =	shalt  }
0x6d: {  	_ =	shalt  }
0x6e: {  	_ =	shalt  }
0x6f: {  	_ =	shalt  }
0x70: {  	_ =	shalt  }
0x71: {  	_ =	shalt  }
0x72: {  	_ =	shalt  }
0x73: {  	_ =	shalt  }
0x74: {  	_ =	shalt  }
0x75: {  	_ =	shalt  }
0x76: {  	_ =	shalt  }
0x77: {  	_ =	shalt  }
0x78: {  	_ =	shalt  }
0x79: {  	_ =	shalt  }
0x7a: {  	_ =	shalt  }
0x7b: {  	_ =	shalt  }
0x7c: {  	_ =	shalt  }
0x7d: {  	_ =	shalt  }
0x7e: {  	_ =	shalt  }
0x7f: {  	_ =	shalt  }
0x80: {  	_ =	shalt  }
0x81: {  	_ =	shalt  }
0x82: {  	_ =	shalt  }
0x83: {  	_ =	shalt  }
0x84: {  	_ =	shalt  }
0x85: {  	_ =	shalt  }
0x86: {  	_ =	shalt  }
0x87: {  	_ =	shalt  }
.Lfunc_end0:
.L_simem_size_0:
called_computation.3_lowered:
.L_overlay_start_0:
0x88: {  	s2 =	sld [smem:$0x3FD9]  }
0x89: {  	s3 =	sld [smem:$0x3FFE];
	_ =	sdelay $0x1  }
0x8a: {  	s1 =	srdreg.scid  }
0x8b: {  	s0 =	sand.u32 $0x1, s1  }
0x8c: {  	s16 =	sshll.u32 s0, $0xA;
	s2 =	sadd.s32 s3, s2  }
0x8d: {  	s2 =	sadd.s32 s2, s16  }
0x8e: {  	[smem:$0x3FC0] =	sst s2  }
0x8f: {  	_ = 	snop  }
0x90: {  	(tm) =	ssettm $0x1  }
0x91: {  	s17 =	sld [smem:$0x3FFB];
	_ =	sdelay $0x3  }
0x92: {  	_ =	strace s17  }
0x93: {  	s2 =	sld [smem:$0x3FFC];
	_ =	sdelay $0x3  }
0x94: {  	_ =	strace s2  }
0x95: {  	s2 =	sld [smem:$0x3FFD];
	_ =	sdelay $0x3  }
0x96: {  	_ =	strace s2  }
0x97: {  	_ =	strace $0x8FFFFFFF  }
0x98: {  	s18 =	sld [smem:$0x3FDB];
	_ =	sdelay $0x1  }
0x99: {  	s19 =	simm.s32 $_scs_section_size  }
0x9a: {  	s4 =	simm.s32 $_size__tile_overlayer_lowered;
	s5 =	simm.s32 $_tile_overlayer_lowered  }
0x9b: {  	s22 =	simm.s32 $0x1BFF;
	s21 =	sshll.u32 s5, $0x1;
	s2 =	sadd.s32 s19, s18  }
0x9c: {  	s6 =	simm.s32 $0x0;
	s20 =	sshll.u32 s4, $0x1;
	s4 =	sadd.s32 s21, s2  }
0x9d: {  	[timem:s6], [sflag:s22] =	dma.local [hbm:s4], s20  }
0x9e: {  	_ =	swait.ge [sflag:s22], s20  }
0x9f: {  	s3 =	ssub.s32 $0x0, s20;
	[sflag:s22] =	ssyncset.done $0x0  }
0xa0: {  	[sflag:s22] =	ssyncadd.s32 s3;
	_ =	sdelay $0x1  }
0xa1: {  	s23 =	simm.s32 $0x1B8B  }
0xa2: {  	_ =	swait.ge [sflag:s23], $0x1  }
0xa3: {  	[sflag:s23] =	ssyncset.done $0x0  }
0xa4: {  	s25 =	simm.s32 $0x1B8E;
	s24 =	sld [smem:$0x3FFE];
	[sflag:s23] =	ssyncadd.s32 $0xFFFFFFFF  }
0xa5: {  	s26 =	simm.s32 $execute0_lowered;
	[smem:$0x3FD2] =	sst s25  }
0xa6: {  	s4 =	sshll.u32 s26, $0x1;
	_ =	strace $0x8000004F;
	[dreg:$0x1] =	wrdreg $0xFFFFFFFF  }
0xa7: {  	s28 =	simm.s32 $_size_execute0_lowered;
	s2 =	sadd.s32 s2, s4;
	[dreg:$0x0] =	wrdreg $0x0  }
0xa8: {  	s4 =	sshll.u32 s28, $0x1;
	[dreg:$0x2] =	wrdreg s2  }
0xa9: {  	[dreg:$0x3] =	wrdreg s4  }
0xaa: {  	[dreg:$0x4] =	wrdreg $0xC0  }
0xab: {  	_ =	task [dreg:s6], $0x5FFFF  }
0xac: {  	[dreg:$0x1] =	wrdreg $0xFFFFFFFF  }
0xad: {  	[dreg:$0x0] =	wrdreg $0x60  }
0xae: {  	[dreg:$0x2] =	wrdreg s24  }
0xaf: {  	[dreg:$0x3] =	wrdreg $0x0  }
0xb0: {  	[dreg:$0x4] =	wrdreg $0x9  }
0xb1: {  	_ =	task.clear_ibuf [dreg:s6], $0x5FFFF;
	_ =	strace $0x9000004F  }
0xb2: {  	s29 =	simm.s32 $0x9;
	_ =	strace $0x80000051  }
0xb3: {  	_ =	swait.ge [sflag:s29], $0x1  }
0xb4: {  	[sflag:s29] =	ssyncadd.s32 $0xFFFFFFFF  }
0xb5: {  	_ =	strace $0x90000051  }
0xb6: {  	_ =	sfence  }
0xb7: {  	s30 =	sld [smem:$0x0];
	_ =	sdelay $0x2  }
0xb8: {  	s31 =	sshll.u32 s1, $0xD;
	s1 =	sshrl.u32 s1, $0x2  }
0xb9: {  	s3 =	sand.u32 $0x4000, s31;
	s1 =	sadd.s32 s1, s30  }
0xba: {  	s0 =	sor.u32 s3, s0;
	s1 =	sshll.u32 s1, $0x11  }
0xbb: {  	s0 =	sor.u32 s1, s0  }
0xbc: {  	s0 =	sadd.s32 $0x8F2B, s0  }
0xbd: {  	[sflag:s0] =	ssyncadd.remote.s32 $0x1  }
0xbe: {  	_ =	sfence.sel $0xFFFF  }
0xbf: {  	[dreg:$0x0] =	wrdreg $0xFFFFFFFF;
	(pc) =	sbr.abs _section_cstart, $3  }
0xc0: {  	[dreg:$0x1] =	wrdreg $0xFFFFFFFF  }
0xc1: {  	_ =	task.clear_ibuf [dreg:s6], $0x2FFFF;
	_ =	strace $0x9FFFFFFF  }
0xc2: {  	(tm) =	ssettm $0x7FFFFFFF  }
0xc3: {  	_ =	shalt  }
tec
execute0_lowered:
.L_overlay_start_1:
0x0: {  	(tag) =	ssettag $0x1  }
0x1: {  	s6 =	rddreg [dreg:$0x0]  }
0x2: {  	s0 =	srdreg.scid;
	s2 =	rddreg [dreg:$0x1]  }
0x3: {  	s3 =	simm.s32 $0x0;
	s14 =	simm.s32 $0x400;
	s15 =	simm.s32 $0x14000  }
0x4: {  	s16 =	simm.s32 $0x40;
	s17 =	simm.s32 $0x1B800;
	s18 =	simm.s32 $0x1D800  }
0x5: {  	s19 =	simm.s32 $0x1;
	s20 =	simm.s32 $0x2;
	s5 =	sand.u32 $0x1, s0  }
0x6: {  	s21 =	simm.s32 $0x0;
	s0 =	stileid.u32;
	s9 =	smul.u32 $0x140000, s5  }
0x7: {  	[smem:$0x7FF] =	sst s3;
	s11 =	sadd.s32 $0x49600, s6;
	s10 =	smul.u32 $0x14000, s0  }
0x8: {  	s1 =	sshll.u32 s5, $0x4;
	s8 =	sshll.u32 s0, $0x7;
	s12 =	smul.u32 $0x50000, s0  }
0x9: {  	s28 =	ssub.s32 $0x2, s5;
	p0 =	seq.s32 s5, $0x0;
	s13 =	smul.u32 $0x2800, s0  }
0xa: {  	s31 =	sshll.u32 s0, $0x6;
	s7 =	sor.u32 s0, s1;
	s1 =	rddreg [dreg:$0x2]  }
0xb: {  	s8 =	sand.u32 $0x380, s8;
	s4 =	sshrl.u32 s7, $0x3;
	s7 =	smul.u32 $0xA00, s7  }
0xc: {  	_ =	strace $0x80000050;
	s29 =	sshrl.u32 s28, $0x1;
	s4 =	smul.u32 $0x14000, s4  }
0xd: {  	s9 =	sadd.s32 s10, s9;
	s10 =	ssub.s32 s28, s29;
	s30 =	sshrl.u32 s12, $0x2  }
0xe: {  	s9 =	sshrl.u32 s9, $0x3;
	s12 =	sadd.s32 s30, s2;
	s8 =	sor.u32 s8, s4  }
0xf: {  	s7 =	sadd.s32 s7, s6;
	s4 =	sadd.s32 $0x21600, s6;
	s8 =	sshrl.u32 s8, $0x3  }
0x10: {  	s9 =	sadd.s32 s9, s6;
	s11 =	smov.u32 @p0 s4;
	s8 =	sadd.s32 s8, s6  }
0x11: {  	s6 =	sadd.s32 $0x3600, s7;
	s7 =	sadd.s32 $0x71600, s9;
	s9 =	sadd.s32 s11, s13  }
0x12: {  	s11 =	sshrl.u32 s12, $0x3;
	s12 =	simm.s32 $0x3;
	s13 =	simm.s32 $0x80  }
0x13: {  	s5 =	sadd.s32 $0x17600, s8;
	s8 =	smax.u32 s10, $0x1;
	s10 =	sor.u32 $0x1C03, s31  }
.LBB2_1:
0x14: {  	[spmem:s11], [sflag:s10] =	dma.local [hbm:s9], $0x2800  }
0x15: {  	_ =	swait.ge [sflag:s12], $0x2800  }
0x16: {  	[sflag:s12] =	ssyncset.done $0x0  }
0x17: {  	[sflag:s12] =	ssyncadd.s32 $0xFFFFD800  }
0x18: {  	[tilespmem:s15], [sflag:$0x3] =	stream.strided.gather [hbm4b:s5+s13], $0x2800, s14, s13, $0x38;
	[tilespmem:$0x1F800] =	vst v63  }
0x19: {  	_ =	swait.ge [sflag:s12], $0x2800  }
0x1a: {  	[sflag:s12] =	ssyncset.done $0x0  }
0x1b: {  	s22 =	simm.s32 $0x16800;
	[sflag:s12] =	ssyncadd.s32 $0xFFFFD800  }
0x1c: {  	[tilespmem:s22], [sflag:$0x3] =	stream.linear.gather [hbm4b:s6+s3], $0x5000, $0x38;
	[tilespmem:$0x1F800] =	vst v63  }
0x1d: {  	_ =	swait.ge [sflag:s12], $0x5000  }
0x1e: {  	[sflag:s12] =	ssyncset.done $0x0  }
0x1f: {  	[sflag:s12] =	ssyncadd.s32 $0xFFFFB000  }
0x20: {  	s23 =	simm.s32 $0x14000;
	[bflag:$0x0] =	sbarrier.arrive $0xFFFF  }
0x21: {  	[tilespmem:s17], [sflag:$0x1] =	stream.indirect.gather [hbm4b:s4+s16], $0x80, s23, s16, $0xb8;
	[tilespmem:$0x1F800] =	vst v63  }
0x22: {  	s30 =	simm.s32 $0x14040  }
0x23: {  	[tilespmem:s18], [sflag:$0x2] =	stream.indirect.gather [hbm4b:s4+s16], $0x80, s30, s16, $0xb8;
	[tilespmem:$0x1F800] =	vst v63  }
0x24: {  	_ =	swait.ge [sflag:s19], $0x2000  }
0x25: {  	[sflag:s19] =	ssyncset.done $0x0  }
0x26: {  	[sflag:s19] =	ssyncadd.s32 $0xFFFFE000  }
0x27: {  	[spmem:s2] =	stream.indirect.scatter.add.f32 [tilespmem:s17], [sflag:$0x3], $0x80, s22, s16, $0xb8;
	[tilespmem:$0x1F800] =	vst v63  }
0x28: {  	_ =	swait.ge [sflag:s12], $0x2000  }
0x29: {  	[sflag:s12] =	ssyncset.done $0x0  }
0x2a: {  	[sflag:s12] =	ssyncadd.s32 $0xFFFFE000  }
0x2b: {  	_ =	swait.ge [sflag:s20], $0x2000  }
0x2c: {  	[sflag:s20] =	ssyncset.done $0x0  }
0x2d: {  	s31 =	simm.s32 $0x16880;
	[sflag:s20] =	ssyncadd.s32 $0xFFFFE000  }
0x2e: {  	[spmem:s2] =	stream.indirect.scatter.add.f32 [tilespmem:s18], [sflag:$0x3], $0x80, s31, s16, $0xb8;
	[tilespmem:$0x1F800] =	vst v63  }
0x2f: {  	s24 =	simm.s32 $0x400;
	_ =	swait.ge [sflag:s12], $0x2000  }
0x30: {  	s23 =	simm.s32 $0x80;
	s22 =	simm.s32 $0x16900;
	[sflag:s12] =	ssyncset.done $0x0  }
.LBB2_2:
0x31: {  	s25 =	sadd.s32 $0x14000, s23  }
0x32: {  	[sflag:s12] =	ssyncadd.s32 $0xFFFFE000;
	s26 =	smov.u32 s24;
	s28 =	sadd.s32 $0x200, s24  }
0x33: {  	[tilespmem:s17], [sflag:$0x1] =	stream.indirect.gather [hbm4b:s4+s16], $0x80, s25, s16, $0xb8;
	[tilespmem:$0x1F800] =	vst v63  }
0x34: {  	p0 =	sne.s32 s24, $0x9E00;
	s23 =	sadd.s32 $0x14040, s23  }
0x35: {  	[tilespmem:s18], [sflag:$0x2] =	stream.indirect.gather [hbm4b:s4+s16], $0x80, s23, s16, $0xb8;
	[tilespmem:$0x1F800] =	vst v63  }
0x36: {  	_ =	swait.ge [sflag:s19], $0x2000  }
0x37: {  	[sflag:s19] =	ssyncset.done $0x0  }
0x38: {  	[sflag:s19] =	ssyncadd.s32 $0xFFFFE000  }
0x39: {  	[spmem:s2] =	stream.indirect.scatter.add.f32 [tilespmem:s17], [sflag:$0x3], $0x80, s22, s16, $0xb8;
	[tilespmem:$0x1F800] =	vst v63  }
0x3a: {  	_ =	swait.ge [sflag:s12], $0x2000  }
0x3b: {  	[sflag:s12] =	ssyncset.done $0x0  }
0x3c: {  	[sflag:s12] =	ssyncadd.s32 $0xFFFFE000  }
0x3d: {  	_ =	swait.ge [sflag:s20], $0x2000  }
.Ltmp0:
0x3e: {  	[sflag:s20] =	ssyncset.done $0x0;
	(pc) =	sbr.rel @p0 .LBB2_2-.Ltmp0, $4  }
0x3f: {  	s23 =	sadd.s32 $0x80, s22;
	[sflag:s20] =	ssyncadd.s32 $0xFFFFE000  }
0x40: {  	[spmem:s2] =	stream.indirect.scatter.add.f32 [tilespmem:s18], [sflag:$0x3], $0x80, s23, s16, $0xb8;
	[tilespmem:$0x1F800] =	vst v63  }
0x41: {  	s24 =	smov.u32 s28;
	_ =	swait.ge [sflag:s12], $0x2000  }
0x42: {  	s22 =	sadd.s32 $0x100, s22;
	s23 =	sshra.s32 s26, $0x2;
	[sflag:s12] =	ssyncset.done $0x0  }
0x43: {  	s24 =	sadd.s32 $0x14000, s23;
	[sflag:s12] =	ssyncadd.s32 $0xFFFFE000  }
0x44: {  	[tilespmem:s17], [sflag:$0x1] =	stream.indirect.gather [hbm4b:s4+s16], $0x80, s24, s16, $0xb8;
	[tilespmem:$0x1F800] =	vst v63  }
0x45: {  	s30 =	sadd.s32 $0x14040, s23  }
0x46: {  	[tilespmem:s18], [sflag:$0x2] =	stream.indirect.gather [hbm4b:s4+s16], $0x80, s30, s16, $0xb8;
	[tilespmem:$0x1F800] =	vst v63  }
0x47: {  	_ =	swait.ge [sflag:s19], $0x2000  }
0x48: {  	[sflag:s19] =	ssyncset.done $0x0  }
0x49: {  	[sflag:s19] =	ssyncadd.s32 $0xFFFFE000  }
0x4a: {  	[spmem:s2] =	stream.indirect.scatter.add.f32 [tilespmem:s17], [sflag:$0x3], $0x80, s22, s16, $0xb8;
	[tilespmem:$0x1F800] =	vst v63  }
0x4b: {  	_ =	swait.ge [sflag:s12], $0x2000  }
0x4c: {  	[sflag:s12] =	ssyncset.done $0x0  }
0x4d: {  	[sflag:s12] =	ssyncadd.s32 $0xFFFFE000  }
0x4e: {  	_ =	swait.ge [sflag:s20], $0x2000  }
0x4f: {  	[sflag:s20] =	ssyncset.done $0x0  }
0x50: {  	s31 =	sadd.s32 $0x80, s22;
	[sflag:s20] =	ssyncadd.s32 $0xFFFFE000  }
0x51: {  	[spmem:s2] =	stream.indirect.scatter.add.f32 [tilespmem:s18], [sflag:$0x3], $0x80, s31, s16, $0xb8;
	[tilespmem:$0x1F800] =	vst v63  }
0x52: {  	_ =	swait.ge [sflag:s12], $0x2000  }
0x53: {  	s21 =	sadd.s32 $0x1, s21;
	[sflag:s12] =	ssyncset.done $0x0  }
0x54: {  	p0 =	sne.s32 s21, s8;
	[sflag:s12] =	ssyncadd.s32 $0xFFFFE000  }
.Ltmp1:
0x55: {  	[bflag:$0x0] =	sbarrier.arrive $0xFFFF;
	(pc) =	sbr.rel @p0 .LBB2_1-.Ltmp1, $4  }
0x56: {  	[hbm:s7], [sflag:s10] =	dma.local [spmem:s11], $0x2800  }
0x57: {  	_ =	swait.ge [sflag:s12], $0x2800  }
0x58: {  	[sflag:s12] =	ssyncset.done $0x0  }
0x59: {  	[sflag:s12] =	ssyncadd.s32 $0xFFFFD800  }
0x5a: {  	_ =	sfence.sel $0x180000  }
0x5b: {  	[bflag:$0x0] =	sbarrier.arrive $0xFFFF  }
0x5c: {  	p0 =	sne.s32 s0, $0x0;
	_ =	strace $0x90000050  }
0x5d: {  	s0 =	sadd.s32 @!p0 $0x100000, s1;
	[bflag:$0x2] =	sbarrier.arrive $0xFFFF  }
0x5e: {  	[sflag:s0] =	ssyncadd.tile.s32 @!p0 $0x1;
	_ =	shalt  }
.Lfunc_end2:
_tile_overlayer_lowered:
.L_overlay_start_2:
0x5f: {  	(tag) =	ssettag $0x2  }
0x60: {  	s0 =	rddreg [dreg:$0x0];
	s2 =	stileid.u32  }
0x61: {  	s1 =	rddreg [dreg:$0x1];
	p0 =	sne.s32 s2, $0x0  }
0x62: {  	s3 =	rddreg [dreg:$0x2];
	[bflag:$0x3] =	sbarrier.arrive $0xFFFF;
	s2 =	simm.s32 @!p0 $0x1C03  }
0x63: {  	[timem:s3], [sflag:s2] =	dma.local @!p0 [hbm:s0], s1  }
0x64: {  	s0 =	simm.s32 @!p0 $0x3  }
0x65: {  	_ =	swait.ge @!p0 [sflag:s0], s1  }
0x66: {  	s1 =	ssub.s32 @!p0 $0x0, s1;
	[sflag:s0] =	ssyncset.done @!p0 $0x0  }
0x67: {  	[sflag:s0] =	ssyncadd.s32 @!p0 s1  }
0x68: {  	[bflag:$0x3] =	sbarrier.arrive $0xFFFF  }
0x69: {  	_ =	shalt  }

</sc_bundles>
